<compile_context>
chip_gen: v7x
topology: tpu7x:2x2x1
jax: 0.10.2.dev20260603
libtpu: 0.0.44.dev20260713+nightly
codegen_flags: <defaults>
</compile_context>

<pallas_src>
import functools

import jax
import jax.numpy as jnp
from jax import lax
from jax.experimental import pallas as pl
from jax.experimental.pallas import tpu as pltpu
from jax.experimental.pallas import tpu_sc as plsc

NUM_EMBEDDINGS = 1000000
EMBEDDING_DIM = 64
B0 = 16384
B1 = 20
BATCH = B0 * B1

_INFO = plsc.get_sparse_core_info()
NC = _INFO.num_cores
NS = _INFO.num_subcores
NW = NC * NS
BPW = BATCH // NW

GW = 128
HG = GW // 2
NGROUPS = BPW // GW
IDX_ROWS = BPW // 128
L = 16

_mesh = plsc.VectorSubcoreMesh(core_axis_name="c", subcore_axis_name="s")


@functools.partial(
    pl.kernel,
    mesh=_mesh,
    compiler_params=pltpu.CompilerParams(
        use_tc_tiling_on_sc=False, needs_layout_passes=False
    ),
    out_type=jax.ShapeDtypeStruct((BATCH // 2, 2 * EMBEDDING_DIM), jnp.float32),
    scratch_types=[
        pltpu.VMEM((IDX_ROWS, 128), jnp.int32),
        pltpu.VMEM((NGROUPS, 2, HG), jnp.int32),
        pltpu.VMEM((4, 2, HG, EMBEDDING_DIM), jnp.float32),
        pltpu.SemaphoreType.DMA,
        pltpu.SemaphoreType.DMA,
    ],
)
def _gather_kernel(idx_hbm, w64_hbm, out_hbm, idx_v, lists_v, rows_v,
                   gsem, osem):
    wid = lax.axis_index("s") * NC + lax.axis_index("c")
    idx_row_base = pl.multiple_of(wid * IDX_ROWS, 8)
    out_row_base = wid * (BPW // 2)

    pltpu.sync_copy(idx_hbm.at[pl.ds(idx_row_base, IDX_ROWS)], idx_v)

    lanes = jax.lax.broadcasted_iota(jnp.int32, (L,), 0)

    def build_lists(g):
        for k in range(HG // L):
            src = 2 * k * L + 2 * lanes
            ev = plsc.load_gather(idx_v.at[g], [src])
            od = plsc.load_gather(idx_v.at[g], [src + 1])
            plsc.store_scatter(lists_v.at[g].at[0], [k * L + lanes], ev)
            plsc.store_scatter(lists_v.at[g].at[1], [k * L + lanes], od)

    def fire_gathers(g, b):
        for p in range(2):
            pltpu.async_copy(
                w64_hbm.at[lists_v.at[g].at[p]], rows_v.at[b].at[p], gsem
            )

    def wait_gathers(g, b):
        for p in range(2):
            pltpu.make_async_copy(
                w64_hbm.at[lists_v.at[g].at[p]], rows_v.at[b].at[p], gsem
            ).wait()

    def out_windows(g):
        o = pl.multiple_of(out_row_base + g * HG, 8)
        win = out_hbm.at[pl.ds(o, HG)]
        return (
            win.at[:, pl.ds(0, EMBEDDING_DIM)],
            win.at[:, pl.ds(EMBEDDING_DIM, EMBEDDING_DIM)],
        )

    def start_out(g, b):
        we, wo = out_windows(g)
        pltpu.async_copy(rows_v.at[b].at[0], we, osem)
        pltpu.async_copy(rows_v.at[b].at[1], wo, osem)

    def wait_out(g, b):
        we, wo = out_windows(g)
        pltpu.make_async_copy(rows_v.at[b].at[0], we, osem).wait()
        pltpu.make_async_copy(rows_v.at[b].at[1], wo, osem).wait()

    def build_body(g, carry):
        build_lists(g)
        return carry

    lax.fori_loop(0, NGROUPS, build_body, 0)

    for g in range(3):
        fire_gathers(g, g)

    def proc(g, first, last):
        b = lax.rem(g, 4) if not isinstance(g, int) else g % 4
        wait_gathers(g, b)
        start_out(g, b)
        if not first:
            wait_out(g - 1, lax.rem(g - 1, 4) if not isinstance(g, int) else (g - 1) % 4)
        if not last:
            fire_gathers(g + 3, lax.rem(g + 3, 4) if not isinstance(g, int) else (g + 3) % 4)

    proc(0, True, False)

    def body(g, carry):
        proc(g, False, False)
        return carry

    lax.fori_loop(1, NGROUPS - 3, body, 0)

    proc(NGROUPS - 3, False, True)
    proc(NGROUPS - 2, False, True)
    proc(NGROUPS - 1, False, True)
    wait_out(NGROUPS - 1, (NGROUPS - 1) % 4)


def kernel(input_, weight):
    idx = input_.reshape(BATCH // 128, 128)
    out = _gather_kernel(idx, weight)
    return out.reshape(B0, B1, EMBEDDING_DIM)

# --- scband reference (transcript-rebuilt; emitter-appended) ---
"""Pipeline reference for scband-vocab-parallel-embedding-11012296147448 (READ-ONLY COPY).

The authoritative reference and input builder live on the scoring server;
editing this copy changes nothing except your own understanding.
"""

import jax, jax.numpy as jnp
import numpy as np

NUM_EMBEDDINGS = 1000000
EMBEDDING_DIM = 64
TP_SIZE = 1
TP_RANK = 0
VOCAB_START = TP_RANK * (NUM_EMBEDDINGS // TP_SIZE)
VOCAB_END = VOCAB_START + NUM_EMBEDDINGS // TP_SIZE


def setup_inputs(seed: int = 0) -> dict:
    key = jax.random.key(seed)
    k1, k2 = jax.random.split(key)
    input_ = jax.random.randint(k1, (16384, 20), 0, NUM_EMBEDDINGS, dtype=jnp.int32)
    weight = jax.random.normal(k2, (NUM_EMBEDDINGS // TP_SIZE, EMBEDDING_DIM), dtype=jnp.float32) * 0.02
    return {"input_": input_, "weight": weight}


def reference(input_, weight):
    # mask indices that fall outside this rank's vocab shard
    input_mask = (input_ < VOCAB_START) | (input_ >= VOCAB_END)
    masked_input = input_ - VOCAB_START
    masked_input = jnp.where(input_mask, 0, masked_input)
    # embedding gather
    output = jnp.take(weight, masked_input, axis=0)
    # zero out rows for out-of-shard indices
    output = jnp.where(input_mask[..., None], 0.0, output)
    # all-reduce is identity for tp_size == 1
    return output

if __name__ == "__main__":
    import jax
    _d = setup_inputs()
    print(jax.jit(kernel)(*tuple(_d.values())))

</pallas_src>

<mosaic_0001>
#map = affine_map<(d0, d1) -> (0, 0)>
module attributes {stable_mosaic.version = 14 : i64} {
  func.func @_gather_kernel(%arg0: i32, %arg1: i32, %arg2: memref<2560x128xi32, #tpu.memory_space<hbm>>, %arg3: memref<1000000x64xf32, #tpu.memory_space<hbm>>, %arg4: memref<163840x128xf32, #tpu.memory_space<hbm>>, %arg5: memref<80x128xi32, #tpu.memory_space<vmem>>, %arg6: memref<80x2x64xi32, #tpu.memory_space<vmem>>, %arg7: memref<4x2x64x64xf32, #tpu.memory_space<vmem>>, %arg8: memref<!tpu.dma_semaphore, #tpu.memory_space<semaphore_mem>>, %arg9: memref<!tpu.dma_semaphore, #tpu.memory_space<semaphore_mem>>) attributes {dimension_semantics = [#tpu.dimension_semantics<core_parallel>, #tpu.dimension_semantics<subcore_parallel>], iteration_bounds = array<i64: 2, 16>, scalar_prefetch = 0 : i64, scratch_operands = 5 : i64, tpu.core_type = #tpu.core_type<sc_vector_subcore>, window_params = [{transform_indices = #map}, {transform_indices = #map}, {transform_indices = #map}]} {
    %mul3A = arith.constant 2 : i32
    %mul3A_0 = arith.muli %arg1, %mul3A : i32
    %add3A = arith.addi %mul3A_0, %arg0 : i32
    %mul3A_1 = arith.constant 80 : i32
    %mul3A_2 = arith.muli %add3A, %mul3A_1 : i32
    %multiple_of3A = tpu.assume_multiple %mul3A_2, 8 : i32
    %mul3A_3 = arith.constant 5120 : i32
    %mul3A_4 = arith.muli %add3A, %mul3A_3 : i32
    "tpu.region"() ({
      %run_scoped3A = tpu.sem_alloc : memref<!tpu.dma_semaphore, #tpu.memory_space<semaphore_mem>>
      %dma_start3A_886 = arith.constant 0 : i32
      %dma_start3A_887 = tpu.memref_slice %arg2[%multiple_of3A, %dma_start3A_886] : memref<2560x128xi32, #tpu.memory_space<hbm>> -> memref<80x128xi32, #tpu.memory_space<hbm>>
      %dma_start3A_888 = arith.constant 0 : i32
      %dma_start3A_889 = tpu.memref_slice %arg2[%multiple_of3A, %dma_start3A_888] : memref<2560x128xi32, #tpu.memory_space<hbm>> -> memref<80x128xi32, #tpu.memory_space<hbm>>
      tpu.enqueue_dma source(%dma_start3A_889 : memref<80x128xi32, #tpu.memory_space<hbm>>) target(%arg5 : memref<80x128xi32, #tpu.memory_space<vmem>>) target_semaphore(%run_scoped3A : memref<!tpu.dma_semaphore, #tpu.memory_space<semaphore_mem>>)
      %dma_wait3A_890 = arith.constant 0 : i32
      %dma_wait3A_891 = tpu.memref_slice %arg2[%multiple_of3A, %dma_wait3A_890] : memref<2560x128xi32, #tpu.memory_space<hbm>> -> memref<80x128xi32, #tpu.memory_space<hbm>>
      %dma_wait3A_892 = arith.constant 0 : i32
      %dma_wait3A_893 = tpu.memref_slice %arg2[%multiple_of3A, %dma_wait3A_892] : memref<2560x128xi32, #tpu.memory_space<hbm>> -> memref<80x128xi32, #tpu.memory_space<hbm>>
      tpu.wait_dma2 semaphore(%run_scoped3A : memref<!tpu.dma_semaphore, #tpu.memory_space<semaphore_mem>>) src(%dma_wait3A_893 : memref<80x128xi32, #tpu.memory_space<hbm>>) dst(%arg5 : memref<80x128xi32, #tpu.memory_space<vmem>>)
      tpu.yield
    }) : () -> ()
    %iota3A = tpu.iota {dimensions = array<i32: 0>} : vector<16xi32>
    %scan3A = arith.constant 0 : i32
    %scan3A_5 = arith.constant 0 : i32
    %scan3A_6 = arith.constant 80 : i32
    %scan3A_7 = arith.addi %scan3A_5, %scan3A_6 : i32
    %scan3A_8 = arith.constant 1 : i32
    scf.for %scan3A_886 = %scan3A_5 to %scan3A_7 step %scan3A_8  : i32 {
      %mul3A_887 = arith.constant 2 : i32
      %mul3A_888 = vector.broadcast %mul3A_887 : i32 to vector<16xi32>
      %mul3A_889 = arith.muli %mul3A_888, %iota3A : vector<16xi32>
      %add3A_890 = arith.constant 0 : i32
      %add3A_891 = vector.broadcast %add3A_890 : i32 to vector<16xi32>
      %add3A_892 = arith.addi %add3A_891, %mul3A_889 : vector<16xi32>
      %gather3A = arith.constant 0 : i32
      %gather3A_893 = tpu.memref_slice %arg5[%scan3A_886, %gather3A] : memref<80x128xi32, #tpu.memory_space<vmem>> -> memref<1x128xi32, #tpu.memory_space<vmem>>
      %gather3A_894 = tpu.memref_squeeze %gather3A_893 : memref<1x128xi32, #tpu.memory_space<vmem>> -> memref<128xi32, #tpu.memory_space<vmem>>
      %gather3A_895 = tpu.vector_load_idx %gather3A_894[%add3A_892] : memref<128xi32, #tpu.memory_space<vmem>>[vector<16xi32>], vector<16xi32>,
      %add3A_896 = arith.constant 1 : i32
      %add3A_897 = vector.broadcast %add3A_896 : i32 to vector<16xi32>
      %add3A_898 = arith.addi %add3A_892, %add3A_897 : vector<16xi32>
      %gather3A_899 = arith.constant 0 : i32
      %gather3A_900 = tpu.memref_slice %arg5[%scan3A_886, %gather3A_899] : memref<80x128xi32, #tpu.memory_space<vmem>> -> memref<1x128xi32, #tpu.memory_space<vmem>>
      %gather3A_901 = tpu.memref_squeeze %gather3A_900 : memref<1x128xi32, #tpu.memory_space<vmem>> -> memref<128xi32, #tpu.memory_space<vmem>>
      %gather3A_902 = tpu.vector_load_idx %gather3A_901[%add3A_898] : memref<128xi32, #tpu.memory_space<vmem>>[vector<16xi32>], vector<16xi32>,
      %add3A_903 = arith.constant 0 : i32
      %add3A_904 = vector.broadcast %add3A_903 : i32 to vector<16xi32>
      %add3A_905 = arith.addi %add3A_904, %iota3A : vector<16xi32>
      %scatter3A = arith.constant 0 : i32
      %scatter3A_906 = arith.constant 0 : i32
      %scatter3A_907 = arith.constant 0 : i32
      %scatter3A_908 = tpu.memref_slice %arg6[%scan3A_886, %scatter3A_906, %scatter3A_907] : memref<80x2x64xi32, #tpu.memory_space<vmem>> -> memref<1x2x64xi32, #tpu.memory_space<vmem>>
      %scatter3A_909 = tpu.memref_squeeze %scatter3A_908 : memref<1x2x64xi32, #tpu.memory_space<vmem>> -> memref<2x64xi32, #tpu.memory_space<vmem>>
      %scatter3A_910 = arith.constant 0 : i32
      %scatter3A_911 = tpu.memref_slice %scatter3A_909[%scatter3A, %scatter3A_910] : memref<2x64xi32, #tpu.memory_space<vmem>> -> memref<1x64xi32, #tpu.memory_space<vmem>>
      %scatter3A_912 = tpu.memref_squeeze %scatter3A_911 : memref<1x64xi32, #tpu.memory_space<vmem>> -> memref<64xi32, #tpu.memory_space<vmem>>
      tpu.vector_store_idx %scatter3A_912[%add3A_905], %gather3A_895 : memref<64xi32, #tpu.memory_space<vmem>>[vector<16xi32>], vector<16xi32>,
      %add3A_913 = arith.constant 0 : i32
      %add3A_914 = vector.broadcast %add3A_913 : i32 to vector<16xi32>
      %add3A_915 = arith.addi %add3A_914, %iota3A : vector<16xi32>
      %scatter3A_916 = arith.constant 1 : i32
      %scatter3A_917 = arith.constant 0 : i32
      %scatter3A_918 = arith.constant 0 : i32
      %scatter3A_919 = tpu.memref_slice %arg6[%scan3A_886, %scatter3A_917, %scatter3A_918] : memref<80x2x64xi32, #tpu.memory_space<vmem>> -> memref<1x2x64xi32, #tpu.memory_space<vmem>>
      %scatter3A_920 = tpu.memref_squeeze %scatter3A_919 : memref<1x2x64xi32, #tpu.memory_space<vmem>> -> memref<2x64xi32, #tpu.memory_space<vmem>>
      %scatter3A_921 = arith.constant 0 : i32
      %scatter3A_922 = tpu.memref_slice %scatter3A_920[%scatter3A_916, %scatter3A_921] : memref<2x64xi32, #tpu.memory_space<vmem>> -> memref<1x64xi32, #tpu.memory_space<vmem>>
      %scatter3A_923 = tpu.memref_squeeze %scatter3A_922 : memref<1x64xi32, #tpu.memory_space<vmem>> -> memref<64xi32, #tpu.memory_space<vmem>>
      tpu.vector_store_idx %scatter3A_923[%add3A_915], %gather3A_902 : memref<64xi32, #tpu.memory_space<vmem>>[vector<16xi32>], vector<16xi32>,
      %mul3A_924 = arith.constant 2 : i32
      %mul3A_925 = vector.broadcast %mul3A_924 : i32 to vector<16xi32>
      %mul3A_926 = arith.muli %mul3A_925, %iota3A : vector<16xi32>
      %add3A_927 = arith.constant 32 : i32
      %add3A_928 = vector.broadcast %add3A_927 : i32 to vector<16xi32>
      %add3A_929 = arith.addi %add3A_928, %mul3A_926 : vector<16xi32>
      %gather3A_930 = arith.constant 0 : i32
      %gather3A_931 = tpu.memref_slice %arg5[%scan3A_886, %gather3A_930] : memref<80x128xi32, #tpu.memory_space<vmem>> -> memref<1x128xi32, #tpu.memory_space<vmem>>
      %gather3A_932 = tpu.memref_squeeze %gather3A_931 : memref<1x128xi32, #tpu.memory_space<vmem>> -> memref<128xi32, #tpu.memory_space<vmem>>
      %gather3A_933 = tpu.vector_load_idx %gather3A_932[%add3A_929] : memref<128xi32, #tpu.memory_space<vmem>>[vector<16xi32>], vector<16xi32>,
      %add3A_934 = arith.constant 1 : i32
      %add3A_935 = vector.broadcast %add3A_934 : i32 to vector<16xi32>
      %add3A_936 = arith.addi %add3A_929, %add3A_935 : vector<16xi32>
      %gather3A_937 = arith.constant 0 : i32
      %gather3A_938 = tpu.memref_slice %arg5[%scan3A_886, %gather3A_937] : memref<80x128xi32, #tpu.memory_space<vmem>> -> memref<1x128xi32, #tpu.memory_space<vmem>>
      %gather3A_939 = tpu.memref_squeeze %gather3A_938 : memref<1x128xi32, #tpu.memory_space<vmem>> -> memref<128xi32, #tpu.memory_space<vmem>>
      %gather3A_940 = tpu.vector_load_idx %gather3A_939[%add3A_936] : memref<128xi32, #tpu.memory_space<vmem>>[vector<16xi32>], vector<16xi32>,
      %add3A_941 = arith.constant 16 : i32
      %add3A_942 = vector.broadcast %add3A_941 : i32 to vector<16xi32>
      %add3A_943 = arith.addi %add3A_942, %iota3A : vector<16xi32>
      %scatter3A_944 = arith.constant 0 : i32
      %scatter3A_945 = arith.constant 0 : i32
      %scatter3A_946 = arith.constant 0 : i32
      %scatter3A_947 = tpu.memref_slice %arg6[%scan3A_886, %scatter3A_945, %scatter3A_946] : memref<80x2x64xi32, #tpu.memory_space<vmem>> -> memref<1x2x64xi32, #tpu.memory_space<vmem>>
      %scatter3A_948 = tpu.memref_squeeze %scatter3A_947 : memref<1x2x64xi32, #tpu.memory_space<vmem>> -> memref<2x64xi32, #tpu.memory_space<vmem>>
      %scatter3A_949 = arith.constant 0 : i32
      %scatter3A_950 = tpu.memref_slice %scatter3A_948[%scatter3A_944, %scatter3A_949] : memref<2x64xi32, #tpu.memory_space<vmem>> -> memref<1x64xi32, #tpu.memory_space<vmem>>
      %scatter3A_951 = tpu.memref_squeeze %scatter3A_950 : memref<1x64xi32, #tpu.memory_space<vmem>> -> memref<64xi32, #tpu.memory_space<vmem>>
      tpu.vector_store_idx %scatter3A_951[%add3A_943], %gather3A_933 : memref<64xi32, #tpu.memory_space<vmem>>[vector<16xi32>], vector<16xi32>,
      %add3A_952 = arith.constant 16 : i32
      %add3A_953 = vector.broadcast %add3A_952 : i32 to vector<16xi32>
      %add3A_954 = arith.addi %add3A_953, %iota3A : vector<16xi32>
      %scatter3A_955 = arith.constant 1 : i32
      %scatter3A_956 = arith.constant 0 : i32
      %scatter3A_957 = arith.constant 0 : i32
      %scatter3A_958 = tpu.memref_slice %arg6[%scan3A_886, %scatter3A_956, %scatter3A_957] : memref<80x2x64xi32, #tpu.memory_space<vmem>> -> memref<1x2x64xi32, #tpu.memory_space<vmem>>
      %scatter3A_959 = tpu.memref_squeeze %scatter3A_958 : memref<1x2x64xi32, #tpu.memory_space<vmem>> -> memref<2x64xi32, #tpu.memory_space<vmem>>
      %scatter3A_960 = arith.constant 0 : i32
      %scatter3A_961 = tpu.memref_slice %scatter3A_959[%scatter3A_955, %scatter3A_960] : memref<2x64xi32, #tpu.memory_space<vmem>> -> memref<1x64xi32, #tpu.memory_space<vmem>>
      %scatter3A_962 = tpu.memref_squeeze %scatter3A_961 : memref<1x64xi32, #tpu.memory_space<vmem>> -> memref<64xi32, #tpu.memory_space<vmem>>
      tpu.vector_store_idx %scatter3A_962[%add3A_954], %gather3A_940 : memref<64xi32, #tpu.memory_space<vmem>>[vector<16xi32>], vector<16xi32>,
      %mul3A_963 = arith.constant 2 : i32
      %mul3A_964 = vector.broadcast %mul3A_963 : i32 to vector<16xi32>
      %mul3A_965 = arith.muli %mul3A_964, %iota3A : vector<16xi32>
      %add3A_966 = arith.constant 64 : i32
      %add3A_967 = vector.broadcast %add3A_966 : i32 to vector<16xi32>
      %add3A_968 = arith.addi %add3A_967, %mul3A_965 : vector<16xi32>
      %gather3A_969 = arith.constant 0 : i32
      %gather3A_970 = tpu.memref_slice %arg5[%scan3A_886, %gather3A_969] : memref<80x128xi32, #tpu.memory_space<vmem>> -> memref<1x128xi32, #tpu.memory_space<vmem>>
      %gather3A_971 = tpu.memref_squeeze %gather3A_970 : memref<1x128xi32, #tpu.memory_space<vmem>> -> memref<128xi32, #tpu.memory_space<vmem>>
      %gather3A_972 = tpu.vector_load_idx %gather3A_971[%add3A_968] : memref<128xi32, #tpu.memory_space<vmem>>[vector<16xi32>], vector<16xi32>,
      %add3A_973 = arith.constant 1 : i32
      %add3A_974 = vector.broadcast %add3A_973 : i32 to vector<16xi32>
      %add3A_975 = arith.addi %add3A_968, %add3A_974 : vector<16xi32>
      %gather3A_976 = arith.constant 0 : i32
      %gather3A_977 = tpu.memref_slice %arg5[%scan3A_886, %gather3A_976] : memref<80x128xi32, #tpu.memory_space<vmem>> -> memref<1x128xi32, #tpu.memory_space<vmem>>
      %gather3A_978 = tpu.memref_squeeze %gather3A_977 : memref<1x128xi32, #tpu.memory_space<vmem>> -> memref<128xi32, #tpu.memory_space<vmem>>
      %gather3A_979 = tpu.vector_load_idx %gather3A_978[%add3A_975] : memref<128xi32, #tpu.memory_space<vmem>>[vector<16xi32>], vector<16xi32>,
      %add3A_980 = arith.constant 32 : i32
      %add3A_981 = vector.broadcast %add3A_980 : i32 to vector<16xi32>
      %add3A_982 = arith.addi %add3A_981, %iota3A : vector<16xi32>
      %scatter3A_983 = arith.constant 0 : i32
      %scatter3A_984 = arith.constant 0 : i32
      %scatter3A_985 = arith.constant 0 : i32
      %scatter3A_986 = tpu.memref_slice %arg6[%scan3A_886, %scatter3A_984, %scatter3A_985] : memref<80x2x64xi32, #tpu.memory_space<vmem>> -> memref<1x2x64xi32, #tpu.memory_space<vmem>>
      %scatter3A_987 = tpu.memref_squeeze %scatter3A_986 : memref<1x2x64xi32, #tpu.memory_space<vmem>> -> memref<2x64xi32, #tpu.memory_space<vmem>>
      %scatter3A_988 = arith.constant 0 : i32
      %scatter3A_989 = tpu.memref_slice %scatter3A_987[%scatter3A_983, %scatter3A_988] : memref<2x64xi32, #tpu.memory_space<vmem>> -> memref<1x64xi32, #tpu.memory_space<vmem>>
      %scatter3A_990 = tpu.memref_squeeze %scatter3A_989 : memref<1x64xi32, #tpu.memory_space<vmem>> -> memref<64xi32, #tpu.memory_space<vmem>>
      tpu.vector_store_idx %scatter3A_990[%add3A_982], %gather3A_972 : memref<64xi32, #tpu.memory_space<vmem>>[vector<16xi32>], vector<16xi32>,
      %add3A_991 = arith.constant 32 : i32
      %add3A_992 = vector.broadcast %add3A_991 : i32 to vector<16xi32>
      %add3A_993 = arith.addi %add3A_992, %iota3A : vector<16xi32>
      %scatter3A_994 = arith.constant 1 : i32
      %scatter3A_995 = arith.constant 0 : i32
      %scatter3A_996 = arith.constant 0 : i32
      %scatter3A_997 = tpu.memref_slice %arg6[%scan3A_886, %scatter3A_995, %scatter3A_996] : memref<80x2x64xi32, #tpu.memory_space<vmem>> -> memref<1x2x64xi32, #tpu.memory_space<vmem>>
      %scatter3A_998 = tpu.memref_squeeze %scatter3A_997 : memref<1x2x64xi32, #tpu.memory_space<vmem>> -> memref<2x64xi32, #tpu.memory_space<vmem>>
      %scatter3A_999 = arith.constant 0 : i32
      %scatter3A_1000 = tpu.memref_slice %scatter3A_998[%scatter3A_994, %scatter3A_999] : memref<2x64xi32, #tpu.memory_space<vmem>> -> memref<1x64xi32, #tpu.memory_space<vmem>>
      %scatter3A_1001 = tpu.memref_squeeze %scatter3A_1000 : memref<1x64xi32, #tpu.memory_space<vmem>> -> memref<64xi32, #tpu.memory_space<vmem>>
      tpu.vector_store_idx %scatter3A_1001[%add3A_993], %gather3A_979 : memref<64xi32, #tpu.memory_space<vmem>>[vector<16xi32>], vector<16xi32>,
      %mul3A_1002 = arith.constant 2 : i32
      %mul3A_1003 = vector.broadcast %mul3A_1002 : i32 to vector<16xi32>
      %mul3A_1004 = arith.muli %mul3A_1003, %iota3A : vector<16xi32>
      %add3A_1005 = arith.constant 96 : i32
      %add3A_1006 = vector.broadcast %add3A_1005 : i32 to vector<16xi32>
      %add3A_1007 = arith.addi %add3A_1006, %mul3A_1004 : vector<16xi32>
      %gather3A_1008 = arith.constant 0 : i32
      %gather3A_1009 = tpu.memref_slice %arg5[%scan3A_886, %gather3A_1008] : memref<80x128xi32, #tpu.memory_space<vmem>> -> memref<1x128xi32, #tpu.memory_space<vmem>>
      %gather3A_1010 = tpu.memref_squeeze %gather3A_1009 : memref<1x128xi32, #tpu.memory_space<vmem>> -> memref<128xi32, #tpu.memory_space<vmem>>
      %gather3A_1011 = tpu.vector_load_idx %gather3A_1010[%add3A_1007] : memref<128xi32, #tpu.memory_space<vmem>>[vector<16xi32>], vector<16xi32>,
      %add3A_1012 = arith.constant 1 : i32
      %add3A_1013 = vector.broadcast %add3A_1012 : i32 to vector<16xi32>
      %add3A_1014 = arith.addi %add3A_1007, %add3A_1013 : vector<16xi32>
      %gather3A_1015 = arith.constant 0 : i32
      %gather3A_1016 = tpu.memref_slice %arg5[%scan3A_886, %gather3A_1015] : memref<80x128xi32, #tpu.memory_space<vmem>> -> memref<1x128xi32, #tpu.memory_space<vmem>>
      %gather3A_1017 = tpu.memref_squeeze %gather3A_1016 : memref<1x128xi32, #tpu.memory_space<vmem>> -> memref<128xi32, #tpu.memory_space<vmem>>
      %gather3A_1018 = tpu.vector_load_idx %gather3A_1017[%add3A_1014] : memref<128xi32, #tpu.memory_space<vmem>>[vector<16xi32>], vector<16xi32>,
      %add3A_1019 = arith.constant 48 : i32
      %add3A_1020 = vector.broadcast %add3A_1019 : i32 to vector<16xi32>
      %add3A_1021 = arith.addi %add3A_1020, %iota3A : vector<16xi32>
      %scatter3A_1022 = arith.constant 0 : i32
      %scatter3A_1023 = arith.constant 0 : i32
      %scatter3A_1024 = arith.constant 0 : i32
      %scatter3A_1025 = tpu.memref_slice %arg6[%scan3A_886, %scatter3A_1023, %scatter3A_1024] : memref<80x2x64xi32, #tpu.memory_space<vmem>> -> memref<1x2x64xi32, #tpu.memory_space<vmem>>
      %scatter3A_1026 = tpu.memref_squeeze %scatter3A_1025 : memref<1x2x64xi32, #tpu.memory_space<vmem>> -> memref<2x64xi32, #tpu.memory_space<vmem>>
      %scatter3A_1027 = arith.constant 0 : i32
      %scatter3A_1028 = tpu.memref_slice %scatter3A_1026[%scatter3A_1022, %scatter3A_1027] : memref<2x64xi32, #tpu.memory_space<vmem>> -> memref<1x64xi32, #tpu.memory_space<vmem>>
      %scatter3A_1029 = tpu.memref_squeeze %scatter3A_1028 : memref<1x64xi32, #tpu.memory_space<vmem>> -> memref<64xi32, #tpu.memory_space<vmem>>
      tpu.vector_store_idx %scatter3A_1029[%add3A_1021], %gather3A_1011 : memref<64xi32, #tpu.memory_space<vmem>>[vector<16xi32>], vector<16xi32>,
      %add3A_1030 = arith.constant 48 : i32
      %add3A_1031 = vector.broadcast %add3A_1030 : i32 to vector<16xi32>
      %add3A_1032 = arith.addi %add3A_1031, %iota3A : vector<16xi32>
      %scatter3A_1033 = arith.constant 1 : i32
      %scatter3A_1034 = arith.constant 0 : i32
      %scatter3A_1035 = arith.constant 0 : i32
      %scatter3A_1036 = tpu.memref_slice %arg6[%scan3A_886, %scatter3A_1034, %scatter3A_1035] : memref<80x2x64xi32, #tpu.memory_space<vmem>> -> memref<1x2x64xi32, #tpu.memory_space<vmem>>
      %scatter3A_1037 = tpu.memref_squeeze %scatter3A_1036 : memref<1x2x64xi32, #tpu.memory_space<vmem>> -> memref<2x64xi32, #tpu.memory_space<vmem>>
      %scatter3A_1038 = arith.constant 0 : i32
      %scatter3A_1039 = tpu.memref_slice %scatter3A_1037[%scatter3A_1033, %scatter3A_1038] : memref<2x64xi32, #tpu.memory_space<vmem>> -> memref<1x64xi32, #tpu.memory_space<vmem>>
      %scatter3A_1040 = tpu.memref_squeeze %scatter3A_1039 : memref<1x64xi32, #tpu.memory_space<vmem>> -> memref<64xi32, #tpu.memory_space<vmem>>
      tpu.vector_store_idx %scatter3A_1040[%add3A_1032], %gather3A_1018 : memref<64xi32, #tpu.memory_space<vmem>>[vector<16xi32>], vector<16xi32>,
    }
    %scan3A_9 = arith.constant 80 : i32
    %dma_start3A = arith.constant 0 : i32
    %dma_start3A_10 = arith.constant 0 : i32
    %dma_start3A_11 = arith.constant 0 : i32
    %dma_start3A_12 = arith.constant 0 : i32
    %dma_start3A_13 = arith.constant 0 : i32
    %dma_start3A_14 = arith.constant 0 : i32
    %dma_start3A_15 = arith.constant 0 : i32
    %dma_start3A_16 = tpu.memref_slice %arg7[%dma_start3A_11, %dma_start3A_13, %dma_start3A_14, %dma_start3A_15] : memref<4x2x64x64xf32, #tpu.memory_space<vmem>> -> memref<1x2x64x64xf32, #tpu.memory_space<vmem>>
    %dma_start3A_17 = tpu.memref_squeeze %dma_start3A_16 : memref<1x2x64x64xf32, #tpu.memory_space<vmem>> -> memref<2x64x64xf32, #tpu.memory_space<vmem>>
    %dma_start3A_18 = arith.constant 0 : i32
    %dma_start3A_19 = arith.constant 0 : i32
    %dma_start3A_20 = tpu.memref_slice %dma_start3A_17[%dma_start3A_12, %dma_start3A_18, %dma_start3A_19] : memref<2x64x64xf32, #tpu.memory_space<vmem>> -> memref<1x64x64xf32, #tpu.memory_space<vmem>>
    %dma_start3A_21 = tpu.memref_squeeze %dma_start3A_20 : memref<1x64x64xf32, #tpu.memory_space<vmem>> -> memref<64x64xf32, #tpu.memory_space<vmem>>
    %dma_start3A_22 = arith.constant 0 : i32
    %dma_start3A_23 = arith.constant 0 : i32
    %dma_start3A_24 = tpu.memref_slice %arg6[%dma_start3A, %dma_start3A_22, %dma_start3A_23] : memref<80x2x64xi32, #tpu.memory_space<vmem>> -> memref<1x2x64xi32, #tpu.memory_space<vmem>>
    %dma_start3A_25 = tpu.memref_squeeze %dma_start3A_24 : memref<1x2x64xi32, #tpu.memory_space<vmem>> -> memref<2x64xi32, #tpu.memory_space<vmem>>
    %dma_start3A_26 = arith.constant 0 : i32
    %dma_start3A_27 = tpu.memref_slice %dma_start3A_25[%dma_start3A_10, %dma_start3A_26] : memref<2x64xi32, #tpu.memory_space<vmem>> -> memref<1x64xi32, #tpu.memory_space<vmem>>
    %dma_start3A_28 = tpu.memref_squeeze %dma_start3A_27 : memref<1x64xi32, #tpu.memory_space<vmem>> -> memref<64xi32, #tpu.memory_space<vmem>>
    %dma_start3A_29 = arith.constant 0 : i32
    %dma_start3A_30 = arith.constant 0 : i32
    %dma_start3A_31 = tpu.memref_slice %arg3[%dma_start3A_29, %dma_start3A_30] : memref<1000000x64xf32, #tpu.memory_space<hbm>> -> memref<1000000x64xf32, #tpu.memory_space<hbm>>
    tpu.enqueue_indirect_dma source(%dma_start3A_31 : memref<1000000x64xf32, #tpu.memory_space<hbm>>) target(%dma_start3A_21 : memref<64x64xf32, #tpu.memory_space<vmem>>) offsets(%dma_start3A_28 : memref<64xi32, #tpu.memory_space<vmem>>) semaphore(%arg8 : memref<!tpu.dma_semaphore, #tpu.memory_space<semaphore_mem>>)
    %dma_start3A_32 = arith.constant 0 : i32
    %dma_start3A_33 = arith.constant 1 : i32
    %dma_start3A_34 = arith.constant 0 : i32
    %dma_start3A_35 = arith.constant 1 : i32
    %dma_start3A_36 = arith.constant 0 : i32
    %dma_start3A_37 = arith.constant 0 : i32
    %dma_start3A_38 = arith.constant 0 : i32
    %dma_start3A_39 = tpu.memref_slice %arg7[%dma_start3A_34, %dma_start3A_36, %dma_start3A_37, %dma_start3A_38] : memref<4x2x64x64xf32, #tpu.memory_space<vmem>> -> memref<1x2x64x64xf32, #tpu.memory_space<vmem>>
    %dma_start3A_40 = tpu.memref_squeeze %dma_start3A_39 : memref<1x2x64x64xf32, #tpu.memory_space<vmem>> -> memref<2x64x64xf32, #tpu.memory_space<vmem>>
    %dma_start3A_41 = arith.constant 0 : i32
    %dma_start3A_42 = arith.constant 0 : i32
    %dma_start3A_43 = tpu.memref_slice %dma_start3A_40[%dma_start3A_35, %dma_start3A_41, %dma_start3A_42] : memref<2x64x64xf32, #tpu.memory_space<vmem>> -> memref<1x64x64xf32, #tpu.memory_space<vmem>>
    %dma_start3A_44 = tpu.memref_squeeze %dma_start3A_43 : memref<1x64x64xf32, #tpu.memory_space<vmem>> -> memref<64x64xf32, #tpu.memory_space<vmem>>
    %dma_start3A_45 = arith.constant 0 : i32
    %dma_start3A_46 = arith.constant 0 : i32
    %dma_start3A_47 = tpu.memref_slice %arg6[%dma_start3A_32, %dma_start3A_45, %dma_start3A_46] : memref<80x2x64xi32, #tpu.memory_space<vmem>> -> memref<1x2x64xi32, #tpu.memory_space<vmem>>
    %dma_start3A_48 = tpu.memref_squeeze %dma_start3A_47 : memref<1x2x64xi32, #tpu.memory_space<vmem>> -> memref<2x64xi32, #tpu.memory_space<vmem>>
    %dma_start3A_49 = arith.constant 0 : i32
    %dma_start3A_50 = tpu.memref_slice %dma_start3A_48[%dma_start3A_33, %dma_start3A_49] : memref<2x64xi32, #tpu.memory_space<vmem>> -> memref<1x64xi32, #tpu.memory_space<vmem>>
    %dma_start3A_51 = tpu.memref_squeeze %dma_start3A_50 : memref<1x64xi32, #tpu.memory_space<vmem>> -> memref<64xi32, #tpu.memory_space<vmem>>
    %dma_start3A_52 = arith.constant 0 : i32
    %dma_start3A_53 = arith.constant 0 : i32
    %dma_start3A_54 = tpu.memref_slice %arg3[%dma_start3A_52, %dma_start3A_53] : memref<1000000x64xf32, #tpu.memory_space<hbm>> -> memref<1000000x64xf32, #tpu.memory_space<hbm>>
    tpu.enqueue_indirect_dma source(%dma_start3A_54 : memref<1000000x64xf32, #tpu.memory_space<hbm>>) target(%dma_start3A_44 : memref<64x64xf32, #tpu.memory_space<vmem>>) offsets(%dma_start3A_51 : memref<64xi32, #tpu.memory_space<vmem>>) semaphore(%arg8 : memref<!tpu.dma_semaphore, #tpu.memory_space<semaphore_mem>>)
    %dma_start3A_55 = arith.constant 1 : i32
    %dma_start3A_56 = arith.constant 0 : i32
    %dma_start3A_57 = arith.constant 1 : i32
    %dma_start3A_58 = arith.constant 0 : i32
    %dma_start3A_59 = arith.constant 0 : i32
    %dma_start3A_60 = arith.constant 0 : i32
    %dma_start3A_61 = arith.constant 0 : i32
    %dma_start3A_62 = tpu.memref_slice %arg7[%dma_start3A_57, %dma_start3A_59, %dma_start3A_60, %dma_start3A_61] : memref<4x2x64x64xf32, #tpu.memory_space<vmem>> -> memref<1x2x64x64xf32, #tpu.memory_space<vmem>>
    %dma_start3A_63 = tpu.memref_squeeze %dma_start3A_62 : memref<1x2x64x64xf32, #tpu.memory_space<vmem>> -> memref<2x64x64xf32, #tpu.memory_space<vmem>>
    %dma_start3A_64 = arith.constant 0 : i32
    %dma_start3A_65 = arith.constant 0 : i32
    %dma_start3A_66 = tpu.memref_slice %dma_start3A_63[%dma_start3A_58, %dma_start3A_64, %dma_start3A_65] : memref<2x64x64xf32, #tpu.memory_space<vmem>> -> memref<1x64x64xf32, #tpu.memory_space<vmem>>
    %dma_start3A_67 = tpu.memref_squeeze %dma_start3A_66 : memref<1x64x64xf32, #tpu.memory_space<vmem>> -> memref<64x64xf32, #tpu.memory_space<vmem>>
    %dma_start3A_68 = arith.constant 0 : i32
    %dma_start3A_69 = arith.constant 0 : i32
    %dma_start3A_70 = tpu.memref_slice %arg6[%dma_start3A_55, %dma_start3A_68, %dma_start3A_69] : memref<80x2x64xi32, #tpu.memory_space<vmem>> -> memref<1x2x64xi32, #tpu.memory_space<vmem>>
    %dma_start3A_71 = tpu.memref_squeeze %dma_start3A_70 : memref<1x2x64xi32, #tpu.memory_space<vmem>> -> memref<2x64xi32, #tpu.memory_space<vmem>>
    %dma_start3A_72 = arith.constant 0 : i32
    %dma_start3A_73 = tpu.memref_slice %dma_start3A_71[%dma_start3A_56, %dma_start3A_72] : memref<2x64xi32, #tpu.memory_space<vmem>> -> memref<1x64xi32, #tpu.memory_space<vmem>>
    %dma_start3A_74 = tpu.memref_squeeze %dma_start3A_73 : memref<1x64xi32, #tpu.memory_space<vmem>> -> memref<64xi32, #tpu.memory_space<vmem>>
    %dma_start3A_75 = arith.constant 0 : i32
    %dma_start3A_76 = arith.constant 0 : i32
    %dma_start3A_77 = tpu.memref_slice %arg3[%dma_start3A_75, %dma_start3A_76] : memref<1000000x64xf32, #tpu.memory_space<hbm>> -> memref<1000000x64xf32, #tpu.memory_space<hbm>>
    tpu.enqueue_indirect_dma source(%dma_start3A_77 : memref<1000000x64xf32, #tpu.memory_space<hbm>>) target(%dma_start3A_67 : memref<64x64xf32, #tpu.memory_space<vmem>>) offsets(%dma_start3A_74 : memref<64xi32, #tpu.memory_space<vmem>>) semaphore(%arg8 : memref<!tpu.dma_semaphore, #tpu.memory_space<semaphore_mem>>)
    %dma_start3A_78 = arith.constant 1 : i32
    %dma_start3A_79 = arith.constant 1 : i32
    %dma_start3A_80 = arith.constant 1 : i32
    %dma_start3A_81 = arith.constant 1 : i32
    %dma_start3A_82 = arith.constant 0 : i32
    %dma_start3A_83 = arith.constant 0 : i32
    %dma_start3A_84 = arith.constant 0 : i32
    %dma_start3A_85 = tpu.memref_slice %arg7[%dma_start3A_80, %dma_start3A_82, %dma_start3A_83, %dma_start3A_84] : memref<4x2x64x64xf32, #tpu.memory_space<vmem>> -> memref<1x2x64x64xf32, #tpu.memory_space<vmem>>
    %dma_start3A_86 = tpu.memref_squeeze %dma_start3A_85 : memref<1x2x64x64xf32, #tpu.memory_space<vmem>> -> memref<2x64x64xf32, #tpu.memory_space<vmem>>
    %dma_start3A_87 = arith.constant 0 : i32
    %dma_start3A_88 = arith.constant 0 : i32
    %dma_start3A_89 = tpu.memref_slice %dma_start3A_86[%dma_start3A_81, %dma_start3A_87, %dma_start3A_88] : memref<2x64x64xf32, #tpu.memory_space<vmem>> -> memref<1x64x64xf32, #tpu.memory_space<vmem>>
    %dma_start3A_90 = tpu.memref_squeeze %dma_start3A_89 : memref<1x64x64xf32, #tpu.memory_space<vmem>> -> memref<64x64xf32, #tpu.memory_space<vmem>>
    %dma_start3A_91 = arith.constant 0 : i32
    %dma_start3A_92 = arith.constant 0 : i32
    %dma_start3A_93 = tpu.memref_slice %arg6[%dma_start3A_78, %dma_start3A_91, %dma_start3A_92] : memref<80x2x64xi32, #tpu.memory_space<vmem>> -> memref<1x2x64xi32, #tpu.memory_space<vmem>>
    %dma_start3A_94 = tpu.memref_squeeze %dma_start3A_93 : memref<1x2x64xi32, #tpu.memory_space<vmem>> -> memref<2x64xi32, #tpu.memory_space<vmem>>
    %dma_start3A_95 = arith.constant 0 : i32
    %dma_start3A_96 = tpu.memref_slice %dma_start3A_94[%dma_start3A_79, %dma_start3A_95] : memref<2x64xi32, #tpu.memory_space<vmem>> -> memref<1x64xi32, #tpu.memory_space<vmem>>
    %dma_start3A_97 = tpu.memref_squeeze %dma_start3A_96 : memref<1x64xi32, #tpu.memory_space<vmem>> -> memref<64xi32, #tpu.memory_space<vmem>>
    %dma_start3A_98 = arith.constant 0 : i32
    %dma_start3A_99 = arith.constant 0 : i32
    %dma_start3A_100 = tpu.memref_slice %arg3[%dma_start3A_98, %dma_start3A_99] : memref<1000000x64xf32, #tpu.memory_space<hbm>> -> memref<1000000x64xf32, #tpu.memory_space<hbm>>
    tpu.enqueue_indirect_dma source(%dma_start3A_100 : memref<1000000x64xf32, #tpu.memory_space<hbm>>) target(%dma_start3A_90 : memref<64x64xf32, #tpu.memory_space<vmem>>) offsets(%dma_start3A_97 : memref<64xi32, #tpu.memory_space<vmem>>) semaphore(%arg8 : memref<!tpu.dma_semaphore, #tpu.memory_space<semaphore_mem>>)
    %dma_start3A_101 = arith.constant 2 : i32
    %dma_start3A_102 = arith.constant 0 : i32
    %dma_start3A_103 = arith.constant 2 : i32
    %dma_start3A_104 = arith.constant 0 : i32
    %dma_start3A_105 = arith.constant 0 : i32
    %dma_start3A_106 = arith.constant 0 : i32
    %dma_start3A_107 = arith.constant 0 : i32
    %dma_start3A_108 = tpu.memref_slice %arg7[%dma_start3A_103, %dma_start3A_105, %dma_start3A_106, %dma_start3A_107] : memref<4x2x64x64xf32, #tpu.memory_space<vmem>> -> memref<1x2x64x64xf32, #tpu.memory_space<vmem>>
    %dma_start3A_109 = tpu.memref_squeeze %dma_start3A_108 : memref<1x2x64x64xf32, #tpu.memory_space<vmem>> -> memref<2x64x64xf32, #tpu.memory_space<vmem>>
    %dma_start3A_110 = arith.constant 0 : i32
    %dma_start3A_111 = arith.constant 0 : i32
    %dma_start3A_112 = tpu.memref_slice %dma_start3A_109[%dma_start3A_104, %dma_start3A_110, %dma_start3A_111] : memref<2x64x64xf32, #tpu.memory_space<vmem>> -> memref<1x64x64xf32, #tpu.memory_space<vmem>>
    %dma_start3A_113 = tpu.memref_squeeze %dma_start3A_112 : memref<1x64x64xf32, #tpu.memory_space<vmem>> -> memref<64x64xf32, #tpu.memory_space<vmem>>
    %dma_start3A_114 = arith.constant 0 : i32
    %dma_start3A_115 = arith.constant 0 : i32
    %dma_start3A_116 = tpu.memref_slice %arg6[%dma_start3A_101, %dma_start3A_114, %dma_start3A_115] : memref<80x2x64xi32, #tpu.memory_space<vmem>> -> memref<1x2x64xi32, #tpu.memory_space<vmem>>
    %dma_start3A_117 = tpu.memref_squeeze %dma_start3A_116 : memref<1x2x64xi32, #tpu.memory_space<vmem>> -> memref<2x64xi32, #tpu.memory_space<vmem>>
    %dma_start3A_118 = arith.constant 0 : i32
    %dma_start3A_119 = tpu.memref_slice %dma_start3A_117[%dma_start3A_102, %dma_start3A_118] : memref<2x64xi32, #tpu.memory_space<vmem>> -> memref<1x64xi32, #tpu.memory_space<vmem>>
    %dma_start3A_120 = tpu.memref_squeeze %dma_start3A_119 : memref<1x64xi32, #tpu.memory_space<vmem>> -> memref<64xi32, #tpu.memory_space<vmem>>
    %dma_start3A_121 = arith.constant 0 : i32
    %dma_start3A_122 = arith.constant 0 : i32
    %dma_start3A_123 = tpu.memref_slice %arg3[%dma_start3A_121, %dma_start3A_122] : memref<1000000x64xf32, #tpu.memory_space<hbm>> -> memref<1000000x64xf32, #tpu.memory_space<hbm>>
    tpu.enqueue_indirect_dma source(%dma_start3A_123 : memref<1000000x64xf32, #tpu.memory_space<hbm>>) target(%dma_start3A_113 : memref<64x64xf32, #tpu.memory_space<vmem>>) offsets(%dma_start3A_120 : memref<64xi32, #tpu.memory_space<vmem>>) semaphore(%arg8 : memref<!tpu.dma_semaphore, #tpu.memory_space<semaphore_mem>>)
    %dma_start3A_124 = arith.constant 2 : i32
    %dma_start3A_125 = arith.constant 1 : i32
    %dma_start3A_126 = arith.constant 2 : i32
    %dma_start3A_127 = arith.constant 1 : i32
    %dma_start3A_128 = arith.constant 0 : i32
    %dma_start3A_129 = arith.constant 0 : i32
    %dma_start3A_130 = arith.constant 0 : i32
    %dma_start3A_131 = tpu.memref_slice %arg7[%dma_start3A_126, %dma_start3A_128, %dma_start3A_129, %dma_start3A_130] : memref<4x2x64x64xf32, #tpu.memory_space<vmem>> -> memref<1x2x64x64xf32, #tpu.memory_space<vmem>>
    %dma_start3A_132 = tpu.memref_squeeze %dma_start3A_131 : memref<1x2x64x64xf32, #tpu.memory_space<vmem>> -> memref<2x64x64xf32, #tpu.memory_space<vmem>>
    %dma_start3A_133 = arith.constant 0 : i32
    %dma_start3A_134 = arith.constant 0 : i32
    %dma_start3A_135 = tpu.memref_slice %dma_start3A_132[%dma_start3A_127, %dma_start3A_133, %dma_start3A_134] : memref<2x64x64xf32, #tpu.memory_space<vmem>> -> memref<1x64x64xf32, #tpu.memory_space<vmem>>
    %dma_start3A_136 = tpu.memref_squeeze %dma_start3A_135 : memref<1x64x64xf32, #tpu.memory_space<vmem>> -> memref<64x64xf32, #tpu.memory_space<vmem>>
    %dma_start3A_137 = arith.constant 0 : i32
    %dma_start3A_138 = arith.constant 0 : i32
    %dma_start3A_139 = tpu.memref_slice %arg6[%dma_start3A_124, %dma_start3A_137, %dma_start3A_138] : memref<80x2x64xi32, #tpu.memory_space<vmem>> -> memref<1x2x64xi32, #tpu.memory_space<vmem>>
    %dma_start3A_140 = tpu.memref_squeeze %dma_start3A_139 : memref<1x2x64xi32, #tpu.memory_space<vmem>> -> memref<2x64xi32, #tpu.memory_space<vmem>>
    %dma_start3A_141 = arith.constant 0 : i32
    %dma_start3A_142 = tpu.memref_slice %dma_start3A_140[%dma_start3A_125, %dma_start3A_141] : memref<2x64xi32, #tpu.memory_space<vmem>> -> memref<1x64xi32, #tpu.memory_space<vmem>>
    %dma_start3A_143 = tpu.memref_squeeze %dma_start3A_142 : memref<1x64xi32, #tpu.memory_space<vmem>> -> memref<64xi32, #tpu.memory_space<vmem>>
    %dma_start3A_144 = arith.constant 0 : i32
    %dma_start3A_145 = arith.constant 0 : i32
    %dma_start3A_146 = tpu.memref_slice %arg3[%dma_start3A_144, %dma_start3A_145] : memref<1000000x64xf32, #tpu.memory_space<hbm>> -> memref<1000000x64xf32, #tpu.memory_space<hbm>>
    tpu.enqueue_indirect_dma source(%dma_start3A_146 : memref<1000000x64xf32, #tpu.memory_space<hbm>>) target(%dma_start3A_136 : memref<64x64xf32, #tpu.memory_space<vmem>>) offsets(%dma_start3A_143 : memref<64xi32, #tpu.memory_space<vmem>>) semaphore(%arg8 : memref<!tpu.dma_semaphore, #tpu.memory_space<semaphore_mem>>)
    %dma_wait3A = arith.constant 0 : i32
    %dma_wait3A_147 = arith.constant 0 : i32
    %dma_wait3A_148 = arith.constant 0 : i32
    %dma_wait3A_149 = arith.constant 0 : i32
    %dma_wait3A_150 = arith.constant 0 : i32
    %dma_wait3A_151 = arith.constant 0 : i32
    %dma_wait3A_152 = arith.constant 0 : i32
    %dma_wait3A_153 = tpu.memref_slice %arg7[%dma_wait3A_148, %dma_wait3A_150, %dma_wait3A_151, %dma_wait3A_152] : memref<4x2x64x64xf32, #tpu.memory_space<vmem>> -> memref<1x2x64x64xf32, #tpu.memory_space<vmem>>
    %dma_wait3A_154 = tpu.memref_squeeze %dma_wait3A_153 : memref<1x2x64x64xf32, #tpu.memory_space<vmem>> -> memref<2x64x64xf32, #tpu.memory_space<vmem>>
    %dma_wait3A_155 = arith.constant 0 : i32
    %dma_wait3A_156 = arith.constant 0 : i32
    %dma_wait3A_157 = tpu.memref_slice %dma_wait3A_154[%dma_wait3A_149, %dma_wait3A_155, %dma_wait3A_156] : memref<2x64x64xf32, #tpu.memory_space<vmem>> -> memref<1x64x64xf32, #tpu.memory_space<vmem>>
    %dma_wait3A_158 = tpu.memref_squeeze %dma_wait3A_157 : memref<1x64x64xf32, #tpu.memory_space<vmem>> -> memref<64x64xf32, #tpu.memory_space<vmem>>
    %dma_wait3A_159 = arith.constant 0 : i32
    %dma_wait3A_160 = arith.constant 0 : i32
    %dma_wait3A_161 = tpu.memref_slice %arg6[%dma_wait3A, %dma_wait3A_159, %dma_wait3A_160] : memref<80x2x64xi32, #tpu.memory_space<vmem>> -> memref<1x2x64xi32, #tpu.memory_space<vmem>>
    %dma_wait3A_162 = tpu.memref_squeeze %dma_wait3A_161 : memref<1x2x64xi32, #tpu.memory_space<vmem>> -> memref<2x64xi32, #tpu.memory_space<vmem>>
    %dma_wait3A_163 = arith.constant 0 : i32
    %dma_wait3A_164 = tpu.memref_slice %dma_wait3A_162[%dma_wait3A_147, %dma_wait3A_163] : memref<2x64xi32, #tpu.memory_space<vmem>> -> memref<1x64xi32, #tpu.memory_space<vmem>>
    %dma_wait3A_165 = tpu.memref_squeeze %dma_wait3A_164 : memref<1x64xi32, #tpu.memory_space<vmem>> -> memref<64xi32, #tpu.memory_space<vmem>>
    %dma_wait3A_166 = arith.constant 0 : i32
    %dma_wait3A_167 = arith.constant 0 : i32
    %dma_wait3A_168 = tpu.memref_slice %arg3[%dma_wait3A_166, %dma_wait3A_167] : memref<1000000x64xf32, #tpu.memory_space<hbm>> -> memref<1000000x64xf32, #tpu.memory_space<hbm>>
    tpu.wait_indirect_dma semaphore(%arg8 : memref<!tpu.dma_semaphore, #tpu.memory_space<semaphore_mem>>) src(%dma_wait3A_168 : memref<1000000x64xf32, #tpu.memory_space<hbm>>) dst(%dma_wait3A_158 : memref<64x64xf32, #tpu.memory_space<vmem>>)
    %dma_wait3A_169 = arith.constant 0 : i32
    %dma_wait3A_170 = arith.constant 1 : i32
    %dma_wait3A_171 = arith.constant 0 : i32
    %dma_wait3A_172 = arith.constant 1 : i32
    %dma_wait3A_173 = arith.constant 0 : i32
    %dma_wait3A_174 = arith.constant 0 : i32
    %dma_wait3A_175 = arith.constant 0 : i32
    %dma_wait3A_176 = tpu.memref_slice %arg7[%dma_wait3A_171, %dma_wait3A_173, %dma_wait3A_174, %dma_wait3A_175] : memref<4x2x64x64xf32, #tpu.memory_space<vmem>> -> memref<1x2x64x64xf32, #tpu.memory_space<vmem>>
    %dma_wait3A_177 = tpu.memref_squeeze %dma_wait3A_176 : memref<1x2x64x64xf32, #tpu.memory_space<vmem>> -> memref<2x64x64xf32, #tpu.memory_space<vmem>>
    %dma_wait3A_178 = arith.constant 0 : i32
    %dma_wait3A_179 = arith.constant 0 : i32
    %dma_wait3A_180 = tpu.memref_slice %dma_wait3A_177[%dma_wait3A_172, %dma_wait3A_178, %dma_wait3A_179] : memref<2x64x64xf32, #tpu.memory_space<vmem>> -> memref<1x64x64xf32, #tpu.memory_space<vmem>>
    %dma_wait3A_181 = tpu.memref_squeeze %dma_wait3A_180 : memref<1x64x64xf32, #tpu.memory_space<vmem>> -> memref<64x64xf32, #tpu.memory_space<vmem>>
    %dma_wait3A_182 = arith.constant 0 : i32
    %dma_wait3A_183 = arith.constant 0 : i32
    %dma_wait3A_184 = tpu.memref_slice %arg6[%dma_wait3A_169, %dma_wait3A_182, %dma_wait3A_183] : memref<80x2x64xi32, #tpu.memory_space<vmem>> -> memref<1x2x64xi32, #tpu.memory_space<vmem>>
    %dma_wait3A_185 = tpu.memref_squeeze %dma_wait3A_184 : memref<1x2x64xi32, #tpu.memory_space<vmem>> -> memref<2x64xi32, #tpu.memory_space<vmem>>
    %dma_wait3A_186 = arith.constant 0 : i32
    %dma_wait3A_187 = tpu.memref_slice %dma_wait3A_185[%dma_wait3A_170, %dma_wait3A_186] : memref<2x64xi32, #tpu.memory_space<vmem>> -> memref<1x64xi32, #tpu.memory_space<vmem>>
    %dma_wait3A_188 = tpu.memref_squeeze %dma_wait3A_187 : memref<1x64xi32, #tpu.memory_space<vmem>> -> memref<64xi32, #tpu.memory_space<vmem>>
    %dma_wait3A_189 = arith.constant 0 : i32
    %dma_wait3A_190 = arith.constant 0 : i32
    %dma_wait3A_191 = tpu.memref_slice %arg3[%dma_wait3A_189, %dma_wait3A_190] : memref<1000000x64xf32, #tpu.memory_space<hbm>> -> memref<1000000x64xf32, #tpu.memory_space<hbm>>
    tpu.wait_indirect_dma semaphore(%arg8 : memref<!tpu.dma_semaphore, #tpu.memory_space<semaphore_mem>>) src(%dma_wait3A_191 : memref<1000000x64xf32, #tpu.memory_space<hbm>>) dst(%dma_wait3A_181 : memref<64x64xf32, #tpu.memory_space<vmem>>)
    %add3A_192 = arith.constant 0 : i32
    %add3A_193 = arith.addi %mul3A_4, %add3A_192 : i32
    %multiple_of3A_194 = tpu.assume_multiple %add3A_193, 8 : i32
    %dma_start3A_195 = arith.constant 0 : i32
    %dma_start3A_196 = arith.constant 0 : i32
    %dma_start3A_197 = arith.constant 0 : i32
    %dma_start3A_198 = arith.constant 0 : i32
    %dma_start3A_199 = arith.constant 0 : i32
    %dma_start3A_200 = tpu.memref_slice %arg7[%dma_start3A_195, %dma_start3A_197, %dma_start3A_198, %dma_start3A_199] : memref<4x2x64x64xf32, #tpu.memory_space<vmem>> -> memref<1x2x64x64xf32, #tpu.memory_space<vmem>>
    %dma_start3A_201 = tpu.memref_squeeze %dma_start3A_200 : memref<1x2x64x64xf32, #tpu.memory_space<vmem>> -> memref<2x64x64xf32, #tpu.memory_space<vmem>>
    %dma_start3A_202 = arith.constant 0 : i32
    %dma_start3A_203 = arith.constant 0 : i32
    %dma_start3A_204 = tpu.memref_slice %dma_start3A_201[%dma_start3A_196, %dma_start3A_202, %dma_start3A_203] : memref<2x64x64xf32, #tpu.memory_space<vmem>> -> memref<1x64x64xf32, #tpu.memory_space<vmem>>
    %dma_start3A_205 = tpu.memref_squeeze %dma_start3A_204 : memref<1x64x64xf32, #tpu.memory_space<vmem>> -> memref<64x64xf32, #tpu.memory_space<vmem>>
    %dma_start3A_206 = arith.constant 0 : i32
    %dma_start3A_207 = tpu.memref_slice %arg4[%multiple_of3A_194, %dma_start3A_206] : memref<163840x128xf32, #tpu.memory_space<hbm>> -> memref<64x128xf32, #tpu.memory_space<hbm>>
    %dma_start3A_208 = arith.constant 0 : i32
    %dma_start3A_209 = arith.constant 0 : i32
    %dma_start3A_210 = tpu.memref_slice %dma_start3A_207[%dma_start3A_208, %dma_start3A_209] : memref<64x128xf32, #tpu.memory_space<hbm>> -> memref<64x64xf32, #tpu.memory_space<hbm>>
    %dma_start3A_211 = arith.constant 0 : i32
    %dma_start3A_212 = tpu.memref_slice %arg4[%multiple_of3A_194, %dma_start3A_211] : memref<163840x128xf32, #tpu.memory_space<hbm>> -> memref<64x128xf32, #tpu.memory_space<hbm>>
    %dma_start3A_213 = arith.constant 0 : i32
    %dma_start3A_214 = arith.constant 0 : i32
    %dma_start3A_215 = tpu.memref_slice %dma_start3A_212[%dma_start3A_213, %dma_start3A_214] : memref<64x128xf32, #tpu.memory_space<hbm>> -> memref<64x64xf32, #tpu.memory_space<hbm>>
    %dma_start3A_216 = arith.constant 0 : i32
    %dma_start3A_217 = arith.constant 0 : i32
    %dma_start3A_218 = arith.constant 0 : i32
    %dma_start3A_219 = tpu.memref_slice %arg7[%dma_start3A_195, %dma_start3A_216, %dma_start3A_217, %dma_start3A_218] : memref<4x2x64x64xf32, #tpu.memory_space<vmem>> -> memref<1x2x64x64xf32, #tpu.memory_space<vmem>>
    %dma_start3A_220 = tpu.memref_squeeze %dma_start3A_219 : memref<1x2x64x64xf32, #tpu.memory_space<vmem>> -> memref<2x64x64xf32, #tpu.memory_space<vmem>>
    %dma_start3A_221 = arith.constant 0 : i32
    %dma_start3A_222 = arith.constant 0 : i32
    %dma_start3A_223 = tpu.memref_slice %dma_start3A_220[%dma_start3A_196, %dma_start3A_221, %dma_start3A_222] : memref<2x64x64xf32, #tpu.memory_space<vmem>> -> memref<1x64x64xf32, #tpu.memory_space<vmem>>
    %dma_start3A_224 = tpu.memref_squeeze %dma_start3A_223 : memref<1x64x64xf32, #tpu.memory_space<vmem>> -> memref<64x64xf32, #tpu.memory_space<vmem>>
    tpu.enqueue_dma source(%dma_start3A_224 : memref<64x64xf32, #tpu.memory_space<vmem>>) target(%dma_start3A_215 : memref<64x64xf32, #tpu.memory_space<hbm>>) target_semaphore(%arg9 : memref<!tpu.dma_semaphore, #tpu.memory_space<semaphore_mem>>)
    %dma_start3A_225 = arith.constant 0 : i32
    %dma_start3A_226 = arith.constant 1 : i32
    %dma_start3A_227 = arith.constant 0 : i32
    %dma_start3A_228 = arith.constant 0 : i32
    %dma_start3A_229 = arith.constant 0 : i32
    %dma_start3A_230 = tpu.memref_slice %arg7[%dma_start3A_225, %dma_start3A_227, %dma_start3A_228, %dma_start3A_229] : memref<4x2x64x64xf32, #tpu.memory_space<vmem>> -> memref<1x2x64x64xf32, #tpu.memory_space<vmem>>
    %dma_start3A_231 = tpu.memref_squeeze %dma_start3A_230 : memref<1x2x64x64xf32, #tpu.memory_space<vmem>> -> memref<2x64x64xf32, #tpu.memory_space<vmem>>
    %dma_start3A_232 = arith.constant 0 : i32
    %dma_start3A_233 = arith.constant 0 : i32
    %dma_start3A_234 = tpu.memref_slice %dma_start3A_231[%dma_start3A_226, %dma_start3A_232, %dma_start3A_233] : memref<2x64x64xf32, #tpu.memory_space<vmem>> -> memref<1x64x64xf32, #tpu.memory_space<vmem>>
    %dma_start3A_235 = tpu.memref_squeeze %dma_start3A_234 : memref<1x64x64xf32, #tpu.memory_space<vmem>> -> memref<64x64xf32, #tpu.memory_space<vmem>>
    %dma_start3A_236 = arith.constant 0 : i32
    %dma_start3A_237 = tpu.memref_slice %arg4[%multiple_of3A_194, %dma_start3A_236] : memref<163840x128xf32, #tpu.memory_space<hbm>> -> memref<64x128xf32, #tpu.memory_space<hbm>>
    %dma_start3A_238 = arith.constant 0 : i32
    %dma_start3A_239 = arith.constant 64 : i32
    %dma_start3A_240 = tpu.memref_slice %dma_start3A_237[%dma_start3A_238, %dma_start3A_239] : memref<64x128xf32, #tpu.memory_space<hbm>> -> memref<64x64xf32, #tpu.memory_space<hbm>>
    %dma_start3A_241 = arith.constant 0 : i32
    %dma_start3A_242 = tpu.memref_slice %arg4[%multiple_of3A_194, %dma_start3A_241] : memref<163840x128xf32, #tpu.memory_space<hbm>> -> memref<64x128xf32, #tpu.memory_space<hbm>>
    %dma_start3A_243 = arith.constant 0 : i32
    %dma_start3A_244 = arith.constant 64 : i32
    %dma_start3A_245 = tpu.memref_slice %dma_start3A_242[%dma_start3A_243, %dma_start3A_244] : memref<64x128xf32, #tpu.memory_space<hbm>> -> memref<64x64xf32, #tpu.memory_space<hbm>>
    %dma_start3A_246 = arith.constant 0 : i32
    %dma_start3A_247 = arith.constant 0 : i32
    %dma_start3A_248 = arith.constant 0 : i32
    %dma_start3A_249 = tpu.memref_slice %arg7[%dma_start3A_225, %dma_start3A_246, %dma_start3A_247, %dma_start3A_248] : memref<4x2x64x64xf32, #tpu.memory_space<vmem>> -> memref<1x2x64x64xf32, #tpu.memory_space<vmem>>
    %dma_start3A_250 = tpu.memref_squeeze %dma_start3A_249 : memref<1x2x64x64xf32, #tpu.memory_space<vmem>> -> memref<2x64x64xf32, #tpu.memory_space<vmem>>
    %dma_start3A_251 = arith.constant 0 : i32
    %dma_start3A_252 = arith.constant 0 : i32
    %dma_start3A_253 = tpu.memref_slice %dma_start3A_250[%dma_start3A_226, %dma_start3A_251, %dma_start3A_252] : memref<2x64x64xf32, #tpu.memory_space<vmem>> -> memref<1x64x64xf32, #tpu.memory_space<vmem>>
    %dma_start3A_254 = tpu.memref_squeeze %dma_start3A_253 : memref<1x64x64xf32, #tpu.memory_space<vmem>> -> memref<64x64xf32, #tpu.memory_space<vmem>>
    tpu.enqueue_dma source(%dma_start3A_254 : memref<64x64xf32, #tpu.memory_space<vmem>>) target(%dma_start3A_245 : memref<64x64xf32, #tpu.memory_space<hbm>>) target_semaphore(%arg9 : memref<!tpu.dma_semaphore, #tpu.memory_space<semaphore_mem>>)
    %dma_start3A_255 = arith.constant 3 : i32
    %dma_start3A_256 = arith.constant 0 : i32
    %dma_start3A_257 = arith.constant 3 : i32
    %dma_start3A_258 = arith.constant 0 : i32
    %dma_start3A_259 = arith.constant 0 : i32
    %dma_start3A_260 = arith.constant 0 : i32
    %dma_start3A_261 = arith.constant 0 : i32
    %dma_start3A_262 = tpu.memref_slice %arg7[%dma_start3A_257, %dma_start3A_259, %dma_start3A_260, %dma_start3A_261] : memref<4x2x64x64xf32, #tpu.memory_space<vmem>> -> memref<1x2x64x64xf32, #tpu.memory_space<vmem>>
    %dma_start3A_263 = tpu.memref_squeeze %dma_start3A_262 : memref<1x2x64x64xf32, #tpu.memory_space<vmem>> -> memref<2x64x64xf32, #tpu.memory_space<vmem>>
    %dma_start3A_264 = arith.constant 0 : i32
    %dma_start3A_265 = arith.constant 0 : i32
    %dma_start3A_266 = tpu.memref_slice %dma_start3A_263[%dma_start3A_258, %dma_start3A_264, %dma_start3A_265] : memref<2x64x64xf32, #tpu.memory_space<vmem>> -> memref<1x64x64xf32, #tpu.memory_space<vmem>>
    %dma_start3A_267 = tpu.memref_squeeze %dma_start3A_266 : memref<1x64x64xf32, #tpu.memory_space<vmem>> -> memref<64x64xf32, #tpu.memory_space<vmem>>
    %dma_start3A_268 = arith.constant 0 : i32
    %dma_start3A_269 = arith.constant 0 : i32
    %dma_start3A_270 = tpu.memref_slice %arg6[%dma_start3A_255, %dma_start3A_268, %dma_start3A_269] : memref<80x2x64xi32, #tpu.memory_space<vmem>> -> memref<1x2x64xi32, #tpu.memory_space<vmem>>
    %dma_start3A_271 = tpu.memref_squeeze %dma_start3A_270 : memref<1x2x64xi32, #tpu.memory_space<vmem>> -> memref<2x64xi32, #tpu.memory_space<vmem>>
    %dma_start3A_272 = arith.constant 0 : i32
    %dma_start3A_273 = tpu.memref_slice %dma_start3A_271[%dma_start3A_256, %dma_start3A_272] : memref<2x64xi32, #tpu.memory_space<vmem>> -> memref<1x64xi32, #tpu.memory_space<vmem>>
    %dma_start3A_274 = tpu.memref_squeeze %dma_start3A_273 : memref<1x64xi32, #tpu.memory_space<vmem>> -> memref<64xi32, #tpu.memory_space<vmem>>
    %dma_start3A_275 = arith.constant 0 : i32
    %dma_start3A_276 = arith.constant 0 : i32
    %dma_start3A_277 = tpu.memref_slice %arg3[%dma_start3A_275, %dma_start3A_276] : memref<1000000x64xf32, #tpu.memory_space<hbm>> -> memref<1000000x64xf32, #tpu.memory_space<hbm>>
    tpu.enqueue_indirect_dma source(%dma_start3A_277 : memref<1000000x64xf32, #tpu.memory_space<hbm>>) target(%dma_start3A_267 : memref<64x64xf32, #tpu.memory_space<vmem>>) offsets(%dma_start3A_274 : memref<64xi32, #tpu.memory_space<vmem>>) semaphore(%arg8 : memref<!tpu.dma_semaphore, #tpu.memory_space<semaphore_mem>>)
    %dma_start3A_278 = arith.constant 3 : i32
    %dma_start3A_279 = arith.constant 1 : i32
    %dma_start3A_280 = arith.constant 3 : i32
    %dma_start3A_281 = arith.constant 1 : i32
    %dma_start3A_282 = arith.constant 0 : i32
    %dma_start3A_283 = arith.constant 0 : i32
    %dma_start3A_284 = arith.constant 0 : i32
    %dma_start3A_285 = tpu.memref_slice %arg7[%dma_start3A_280, %dma_start3A_282, %dma_start3A_283, %dma_start3A_284] : memref<4x2x64x64xf32, #tpu.memory_space<vmem>> -> memref<1x2x64x64xf32, #tpu.memory_space<vmem>>
    %dma_start3A_286 = tpu.memref_squeeze %dma_start3A_285 : memref<1x2x64x64xf32, #tpu.memory_space<vmem>> -> memref<2x64x64xf32, #tpu.memory_space<vmem>>
    %dma_start3A_287 = arith.constant 0 : i32
    %dma_start3A_288 = arith.constant 0 : i32
    %dma_start3A_289 = tpu.memref_slice %dma_start3A_286[%dma_start3A_281, %dma_start3A_287, %dma_start3A_288] : memref<2x64x64xf32, #tpu.memory_space<vmem>> -> memref<1x64x64xf32, #tpu.memory_space<vmem>>
    %dma_start3A_290 = tpu.memref_squeeze %dma_start3A_289 : memref<1x64x64xf32, #tpu.memory_space<vmem>> -> memref<64x64xf32, #tpu.memory_space<vmem>>
    %dma_start3A_291 = arith.constant 0 : i32
    %dma_start3A_292 = arith.constant 0 : i32
    %dma_start3A_293 = tpu.memref_slice %arg6[%dma_start3A_278, %dma_start3A_291, %dma_start3A_292] : memref<80x2x64xi32, #tpu.memory_space<vmem>> -> memref<1x2x64xi32, #tpu.memory_space<vmem>>
    %dma_start3A_294 = tpu.memref_squeeze %dma_start3A_293 : memref<1x2x64xi32, #tpu.memory_space<vmem>> -> memref<2x64xi32, #tpu.memory_space<vmem>>
    %dma_start3A_295 = arith.constant 0 : i32
    %dma_start3A_296 = tpu.memref_slice %dma_start3A_294[%dma_start3A_279, %dma_start3A_295] : memref<2x64xi32, #tpu.memory_space<vmem>> -> memref<1x64xi32, #tpu.memory_space<vmem>>
    %dma_start3A_297 = tpu.memref_squeeze %dma_start3A_296 : memref<1x64xi32, #tpu.memory_space<vmem>> -> memref<64xi32, #tpu.memory_space<vmem>>
    %dma_start3A_298 = arith.constant 0 : i32
    %dma_start3A_299 = arith.constant 0 : i32
    %dma_start3A_300 = tpu.memref_slice %arg3[%dma_start3A_298, %dma_start3A_299] : memref<1000000x64xf32, #tpu.memory_space<hbm>> -> memref<1000000x64xf32, #tpu.memory_space<hbm>>
    tpu.enqueue_indirect_dma source(%dma_start3A_300 : memref<1000000x64xf32, #tpu.memory_space<hbm>>) target(%dma_start3A_290 : memref<64x64xf32, #tpu.memory_space<vmem>>) offsets(%dma_start3A_297 : memref<64xi32, #tpu.memory_space<vmem>>) semaphore(%arg8 : memref<!tpu.dma_semaphore, #tpu.memory_space<semaphore_mem>>)
    %scan3A_301 = arith.constant 0 : i32
    %scan3A_302 = arith.constant 1 : i32
    %scan3A_303 = arith.constant 76 : i32
    %scan3A_304 = arith.addi %scan3A_302, %scan3A_303 : i32
    %scan3A_305 = arith.constant 1 : i32
    scf.for %scan3A_886 = %scan3A_302 to %scan3A_304 step %scan3A_305  : i32 {
      %rem3A = arith.constant 4 : i32
      %rem3A_887 = arith.remsi %scan3A_886, %rem3A : i32
      %dma_wait3A_888 = arith.constant 0 : i32
      %dma_wait3A_889 = arith.constant 0 : i32
      %dma_wait3A_890 = arith.constant 0 : i32
      %dma_wait3A_891 = arith.constant 0 : i32
      %dma_wait3A_892 = arith.constant 0 : i32
      %dma_wait3A_893 = tpu.memref_slice %arg7[%rem3A_887, %dma_wait3A_890, %dma_wait3A_891, %dma_wait3A_892] : memref<4x2x64x64xf32, #tpu.memory_space<vmem>> -> memref<1x2x64x64xf32, #tpu.memory_space<vmem>>
      %dma_wait3A_894 = tpu.memref_squeeze %dma_wait3A_893 : memref<1x2x64x64xf32, #tpu.memory_space<vmem>> -> memref<2x64x64xf32, #tpu.memory_space<vmem>>
      %dma_wait3A_895 = arith.constant 0 : i32
      %dma_wait3A_896 = arith.constant 0 : i32
      %dma_wait3A_897 = tpu.memref_slice %dma_wait3A_894[%dma_wait3A_889, %dma_wait3A_895, %dma_wait3A_896] : memref<2x64x64xf32, #tpu.memory_space<vmem>> -> memref<1x64x64xf32, #tpu.memory_space<vmem>>
      %dma_wait3A_898 = tpu.memref_squeeze %dma_wait3A_897 : memref<1x64x64xf32, #tpu.memory_space<vmem>> -> memref<64x64xf32, #tpu.memory_space<vmem>>
      %dma_wait3A_899 = arith.constant 0 : i32
      %dma_wait3A_900 = arith.constant 0 : i32
      %dma_wait3A_901 = tpu.memref_slice %arg6[%scan3A_886, %dma_wait3A_899, %dma_wait3A_900] : memref<80x2x64xi32, #tpu.memory_space<vmem>> -> memref<1x2x64xi32, #tpu.memory_space<vmem>>
      %dma_wait3A_902 = tpu.memref_squeeze %dma_wait3A_901 : memref<1x2x64xi32, #tpu.memory_space<vmem>> -> memref<2x64xi32, #tpu.memory_space<vmem>>
      %dma_wait3A_903 = arith.constant 0 : i32
      %dma_wait3A_904 = tpu.memref_slice %dma_wait3A_902[%dma_wait3A_888, %dma_wait3A_903] : memref<2x64xi32, #tpu.memory_space<vmem>> -> memref<1x64xi32, #tpu.memory_space<vmem>>
      %dma_wait3A_905 = tpu.memref_squeeze %dma_wait3A_904 : memref<1x64xi32, #tpu.memory_space<vmem>> -> memref<64xi32, #tpu.memory_space<vmem>>
      %dma_wait3A_906 = arith.constant 0 : i32
      %dma_wait3A_907 = arith.constant 0 : i32
      %dma_wait3A_908 = tpu.memref_slice %arg3[%dma_wait3A_906, %dma_wait3A_907] : memref<1000000x64xf32, #tpu.memory_space<hbm>> -> memref<1000000x64xf32, #tpu.memory_space<hbm>>
      tpu.wait_indirect_dma semaphore(%arg8 : memref<!tpu.dma_semaphore, #tpu.memory_space<semaphore_mem>>) src(%dma_wait3A_908 : memref<1000000x64xf32, #tpu.memory_space<hbm>>) dst(%dma_wait3A_898 : memref<64x64xf32, #tpu.memory_space<vmem>>)
      %dma_wait3A_909 = arith.constant 1 : i32
      %dma_wait3A_910 = arith.constant 1 : i32
      %dma_wait3A_911 = arith.constant 0 : i32
      %dma_wait3A_912 = arith.constant 0 : i32
      %dma_wait3A_913 = arith.constant 0 : i32
      %dma_wait3A_914 = tpu.memref_slice %arg7[%rem3A_887, %dma_wait3A_911, %dma_wait3A_912, %dma_wait3A_913] : memref<4x2x64x64xf32, #tpu.memory_space<vmem>> -> memref<1x2x64x64xf32, #tpu.memory_space<vmem>>
      %dma_wait3A_915 = tpu.memref_squeeze %dma_wait3A_914 : memref<1x2x64x64xf32, #tpu.memory_space<vmem>> -> memref<2x64x64xf32, #tpu.memory_space<vmem>>
      %dma_wait3A_916 = arith.constant 0 : i32
      %dma_wait3A_917 = arith.constant 0 : i32
      %dma_wait3A_918 = tpu.memref_slice %dma_wait3A_915[%dma_wait3A_910, %dma_wait3A_916, %dma_wait3A_917] : memref<2x64x64xf32, #tpu.memory_space<vmem>> -> memref<1x64x64xf32, #tpu.memory_space<vmem>>
      %dma_wait3A_919 = tpu.memref_squeeze %dma_wait3A_918 : memref<1x64x64xf32, #tpu.memory_space<vmem>> -> memref<64x64xf32, #tpu.memory_space<vmem>>
      %dma_wait3A_920 = arith.constant 0 : i32
      %dma_wait3A_921 = arith.constant 0 : i32
      %dma_wait3A_922 = tpu.memref_slice %arg6[%scan3A_886, %dma_wait3A_920, %dma_wait3A_921] : memref<80x2x64xi32, #tpu.memory_space<vmem>> -> memref<1x2x64xi32, #tpu.memory_space<vmem>>
      %dma_wait3A_923 = tpu.memref_squeeze %dma_wait3A_922 : memref<1x2x64xi32, #tpu.memory_space<vmem>> -> memref<2x64xi32, #tpu.memory_space<vmem>>
      %dma_wait3A_924 = arith.constant 0 : i32
      %dma_wait3A_925 = tpu.memref_slice %dma_wait3A_923[%dma_wait3A_909, %dma_wait3A_924] : memref<2x64xi32, #tpu.memory_space<vmem>> -> memref<1x64xi32, #tpu.memory_space<vmem>>
      %dma_wait3A_926 = tpu.memref_squeeze %dma_wait3A_925 : memref<1x64xi32, #tpu.memory_space<vmem>> -> memref<64xi32, #tpu.memory_space<vmem>>
      %dma_wait3A_927 = arith.constant 0 : i32
      %dma_wait3A_928 = arith.constant 0 : i32
      %dma_wait3A_929 = tpu.memref_slice %arg3[%dma_wait3A_927, %dma_wait3A_928] : memref<1000000x64xf32, #tpu.memory_space<hbm>> -> memref<1000000x64xf32, #tpu.memory_space<hbm>>
      tpu.wait_indirect_dma semaphore(%arg8 : memref<!tpu.dma_semaphore, #tpu.memory_space<semaphore_mem>>) src(%dma_wait3A_929 : memref<1000000x64xf32, #tpu.memory_space<hbm>>) dst(%dma_wait3A_919 : memref<64x64xf32, #tpu.memory_space<vmem>>)
      %mul3A_930 = arith.constant 64 : i32
      %mul3A_931 = arith.muli %scan3A_886, %mul3A_930 : i32
      %add3A_932 = arith.addi %mul3A_4, %mul3A_931 : i32
      %multiple_of3A_933 = tpu.assume_multiple %add3A_932, 8 : i32
      %dma_start3A_934 = arith.constant 0 : i32
      %dma_start3A_935 = arith.constant 0 : i32
      %dma_start3A_936 = arith.constant 0 : i32
      %dma_start3A_937 = arith.constant 0 : i32
      %dma_start3A_938 = tpu.memref_slice %arg7[%rem3A_887, %dma_start3A_935, %dma_start3A_936, %dma_start3A_937] : memref<4x2x64x64xf32, #tpu.memory_space<vmem>> -> memref<1x2x64x64xf32, #tpu.memory_space<vmem>>
      %dma_start3A_939 = tpu.memref_squeeze %dma_start3A_938 : memref<1x2x64x64xf32, #tpu.memory_space<vmem>> -> memref<2x64x64xf32, #tpu.memory_space<vmem>>
      %dma_start3A_940 = arith.constant 0 : i32
      %dma_start3A_941 = arith.constant 0 : i32
      %dma_start3A_942 = tpu.memref_slice %dma_start3A_939[%dma_start3A_934, %dma_start3A_940, %dma_start3A_941] : memref<2x64x64xf32, #tpu.memory_space<vmem>> -> memref<1x64x64xf32, #tpu.memory_space<vmem>>
      %dma_start3A_943 = tpu.memref_squeeze %dma_start3A_942 : memref<1x64x64xf32, #tpu.memory_space<vmem>> -> memref<64x64xf32, #tpu.memory_space<vmem>>
      %dma_start3A_944 = arith.constant 0 : i32
      %dma_start3A_945 = tpu.memref_slice %arg4[%multiple_of3A_933, %dma_start3A_944] : memref<163840x128xf32, #tpu.memory_space<hbm>> -> memref<64x128xf32, #tpu.memory_space<hbm>>
      %dma_start3A_946 = arith.constant 0 : i32
      %dma_start3A_947 = arith.constant 0 : i32
      %dma_start3A_948 = tpu.memref_slice %dma_start3A_945[%dma_start3A_946, %dma_start3A_947] : memref<64x128xf32, #tpu.memory_space<hbm>> -> memref<64x64xf32, #tpu.memory_space<hbm>>
      %dma_start3A_949 = arith.constant 0 : i32
      %dma_start3A_950 = tpu.memref_slice %arg4[%multiple_of3A_933, %dma_start3A_949] : memref<163840x128xf32, #tpu.memory_space<hbm>> -> memref<64x128xf32, #tpu.memory_space<hbm>>
      %dma_start3A_951 = arith.constant 0 : i32
      %dma_start3A_952 = arith.constant 0 : i32
      %dma_start3A_953 = tpu.memref_slice %dma_start3A_950[%dma_start3A_951, %dma_start3A_952] : memref<64x128xf32, #tpu.memory_space<hbm>> -> memref<64x64xf32, #tpu.memory_space<hbm>>
      %dma_start3A_954 = arith.constant 0 : i32
      %dma_start3A_955 = arith.constant 0 : i32
      %dma_start3A_956 = arith.constant 0 : i32
      %dma_start3A_957 = tpu.memref_slice %arg7[%rem3A_887, %dma_start3A_954, %dma_start3A_955, %dma_start3A_956] : memref<4x2x64x64xf32, #tpu.memory_space<vmem>> -> memref<1x2x64x64xf32, #tpu.memory_space<vmem>>
      %dma_start3A_958 = tpu.memref_squeeze %dma_start3A_957 : memref<1x2x64x64xf32, #tpu.memory_space<vmem>> -> memref<2x64x64xf32, #tpu.memory_space<vmem>>
      %dma_start3A_959 = arith.constant 0 : i32
      %dma_start3A_960 = arith.constant 0 : i32
      %dma_start3A_961 = tpu.memref_slice %dma_start3A_958[%dma_start3A_934, %dma_start3A_959, %dma_start3A_960] : memref<2x64x64xf32, #tpu.memory_space<vmem>> -> memref<1x64x64xf32, #tpu.memory_space<vmem>>
      %dma_start3A_962 = tpu.memref_squeeze %dma_start3A_961 : memref<1x64x64xf32, #tpu.memory_space<vmem>> -> memref<64x64xf32, #tpu.memory_space<vmem>>
      tpu.enqueue_dma source(%dma_start3A_962 : memref<64x64xf32, #tpu.memory_space<vmem>>) target(%dma_start3A_953 : memref<64x64xf32, #tpu.memory_space<hbm>>) target_semaphore(%arg9 : memref<!tpu.dma_semaphore, #tpu.memory_space<semaphore_mem>>)
      %dma_start3A_963 = arith.constant 1 : i32
      %dma_start3A_964 = arith.constant 0 : i32
      %dma_start3A_965 = arith.constant 0 : i32
      %dma_start3A_966 = arith.constant 0 : i32
      %dma_start3A_967 = tpu.memref_slice %arg7[%rem3A_887, %dma_start3A_964, %dma_start3A_965, %dma_start3A_966] : memref<4x2x64x64xf32, #tpu.memory_space<vmem>> -> memref<1x2x64x64xf32, #tpu.memory_space<vmem>>
      %dma_start3A_968 = tpu.memref_squeeze %dma_start3A_967 : memref<1x2x64x64xf32, #tpu.memory_space<vmem>> -> memref<2x64x64xf32, #tpu.memory_space<vmem>>
      %dma_start3A_969 = arith.constant 0 : i32
      %dma_start3A_970 = arith.constant 0 : i32
      %dma_start3A_971 = tpu.memref_slice %dma_start3A_968[%dma_start3A_963, %dma_start3A_969, %dma_start3A_970] : memref<2x64x64xf32, #tpu.memory_space<vmem>> -> memref<1x64x64xf32, #tpu.memory_space<vmem>>
      %dma_start3A_972 = tpu.memref_squeeze %dma_start3A_971 : memref<1x64x64xf32, #tpu.memory_space<vmem>> -> memref<64x64xf32, #tpu.memory_space<vmem>>
      %dma_start3A_973 = arith.constant 0 : i32
      %dma_start3A_974 = tpu.memref_slice %arg4[%multiple_of3A_933, %dma_start3A_973] : memref<163840x128xf32, #tpu.memory_space<hbm>> -> memref<64x128xf32, #tpu.memory_space<hbm>>
      %dma_start3A_975 = arith.constant 0 : i32
      %dma_start3A_976 = arith.constant 64 : i32
      %dma_start3A_977 = tpu.memref_slice %dma_start3A_974[%dma_start3A_975, %dma_start3A_976] : memref<64x128xf32, #tpu.memory_space<hbm>> -> memref<64x64xf32, #tpu.memory_space<hbm>>
      %dma_start3A_978 = arith.constant 0 : i32
      %dma_start3A_979 = tpu.memref_slice %arg4[%multiple_of3A_933, %dma_start3A_978] : memref<163840x128xf32, #tpu.memory_space<hbm>> -> memref<64x128xf32, #tpu.memory_space<hbm>>
      %dma_start3A_980 = arith.constant 0 : i32
      %dma_start3A_981 = arith.constant 64 : i32
      %dma_start3A_982 = tpu.memref_slice %dma_start3A_979[%dma_start3A_980, %dma_start3A_981] : memref<64x128xf32, #tpu.memory_space<hbm>> -> memref<64x64xf32, #tpu.memory_space<hbm>>
      %dma_start3A_983 = arith.constant 0 : i32
      %dma_start3A_984 = arith.constant 0 : i32
      %dma_start3A_985 = arith.constant 0 : i32
      %dma_start3A_986 = tpu.memref_slice %arg7[%rem3A_887, %dma_start3A_983, %dma_start3A_984, %dma_start3A_985] : memref<4x2x64x64xf32, #tpu.memory_space<vmem>> -> memref<1x2x64x64xf32, #tpu.memory_space<vmem>>
      %dma_start3A_987 = tpu.memref_squeeze %dma_start3A_986 : memref<1x2x64x64xf32, #tpu.memory_space<vmem>> -> memref<2x64x64xf32, #tpu.memory_space<vmem>>
      %dma_start3A_988 = arith.constant 0 : i32
      %dma_start3A_989 = arith.constant 0 : i32
      %dma_start3A_990 = tpu.memref_slice %dma_start3A_987[%dma_start3A_963, %dma_start3A_988, %dma_start3A_989] : memref<2x64x64xf32, #tpu.memory_space<vmem>> -> memref<1x64x64xf32, #tpu.memory_space<vmem>>
      %dma_start3A_991 = tpu.memref_squeeze %dma_start3A_990 : memref<1x64x64xf32, #tpu.memory_space<vmem>> -> memref<64x64xf32, #tpu.memory_space<vmem>>
      tpu.enqueue_dma source(%dma_start3A_991 : memref<64x64xf32, #tpu.memory_space<vmem>>) target(%dma_start3A_982 : memref<64x64xf32, #tpu.memory_space<hbm>>) target_semaphore(%arg9 : memref<!tpu.dma_semaphore, #tpu.memory_space<semaphore_mem>>)
      %sub3A = arith.constant 1 : i32
      %sub3A_992 = arith.subi %scan3A_886, %sub3A : i32
      %sub3A_993 = arith.constant 1 : i32
      %sub3A_994 = arith.subi %scan3A_886, %sub3A_993 : i32
      %rem3A_995 = arith.constant 4 : i32
      %rem3A_996 = arith.remsi %sub3A_994, %rem3A_995 : i32
      %mul3A_997 = arith.constant 64 : i32
      %mul3A_998 = arith.muli %sub3A_992, %mul3A_997 : i32
      %add3A_999 = arith.addi %mul3A_4, %mul3A_998 : i32
      %multiple_of3A_1000 = tpu.assume_multiple %add3A_999, 8 : i32
      %dma_wait3A_1001 = arith.constant 0 : i32
      %dma_wait3A_1002 = arith.constant 0 : i32
      %dma_wait3A_1003 = arith.constant 0 : i32
      %dma_wait3A_1004 = arith.constant 0 : i32
      %dma_wait3A_1005 = tpu.memref_slice %arg7[%rem3A_996, %dma_wait3A_1002, %dma_wait3A_1003, %dma_wait3A_1004] : memref<4x2x64x64xf32, #tpu.memory_space<vmem>> -> memref<1x2x64x64xf32, #tpu.memory_space<vmem>>
      %dma_wait3A_1006 = tpu.memref_squeeze %dma_wait3A_1005 : memref<1x2x64x64xf32, #tpu.memory_space<vmem>> -> memref<2x64x64xf32, #tpu.memory_space<vmem>>
      %dma_wait3A_1007 = arith.constant 0 : i32
      %dma_wait3A_1008 = arith.constant 0 : i32
      %dma_wait3A_1009 = tpu.memref_slice %dma_wait3A_1006[%dma_wait3A_1001, %dma_wait3A_1007, %dma_wait3A_1008] : memref<2x64x64xf32, #tpu.memory_space<vmem>> -> memref<1x64x64xf32, #tpu.memory_space<vmem>>
      %dma_wait3A_1010 = tpu.memref_squeeze %dma_wait3A_1009 : memref<1x64x64xf32, #tpu.memory_space<vmem>> -> memref<64x64xf32, #tpu.memory_space<vmem>>
      %dma_wait3A_1011 = arith.constant 0 : i32
      %dma_wait3A_1012 = tpu.memref_slice %arg4[%multiple_of3A_1000, %dma_wait3A_1011] : memref<163840x128xf32, #tpu.memory_space<hbm>> -> memref<64x128xf32, #tpu.memory_space<hbm>>
      %dma_wait3A_1013 = arith.constant 0 : i32
      %dma_wait3A_1014 = arith.constant 0 : i32
      %dma_wait3A_1015 = tpu.memref_slice %dma_wait3A_1012[%dma_wait3A_1013, %dma_wait3A_1014] : memref<64x128xf32, #tpu.memory_space<hbm>> -> memref<64x64xf32, #tpu.memory_space<hbm>>
      %dma_wait3A_1016 = arith.constant 0 : i32
      %dma_wait3A_1017 = tpu.memref_slice %arg4[%multiple_of3A_1000, %dma_wait3A_1016] : memref<163840x128xf32, #tpu.memory_space<hbm>> -> memref<64x128xf32, #tpu.memory_space<hbm>>
      %dma_wait3A_1018 = arith.constant 0 : i32
      %dma_wait3A_1019 = arith.constant 0 : i32
      %dma_wait3A_1020 = tpu.memref_slice %dma_wait3A_1017[%dma_wait3A_1018, %dma_wait3A_1019] : memref<64x128xf32, #tpu.memory_space<hbm>> -> memref<64x64xf32, #tpu.memory_space<hbm>>
      %dma_wait3A_1021 = arith.constant 0 : i32
      %dma_wait3A_1022 = arith.constant 0 : i32
      %dma_wait3A_1023 = arith.constant 0 : i32
      %dma_wait3A_1024 = tpu.memref_slice %arg7[%rem3A_996, %dma_wait3A_1021, %dma_wait3A_1022, %dma_wait3A_1023] : memref<4x2x64x64xf32, #tpu.memory_space<vmem>> -> memref<1x2x64x64xf32, #tpu.memory_space<vmem>>
      %dma_wait3A_1025 = tpu.memref_squeeze %dma_wait3A_1024 : memref<1x2x64x64xf32, #tpu.memory_space<vmem>> -> memref<2x64x64xf32, #tpu.memory_space<vmem>>
      %dma_wait3A_1026 = arith.constant 0 : i32
      %dma_wait3A_1027 = arith.constant 0 : i32
      %dma_wait3A_1028 = tpu.memref_slice %dma_wait3A_1025[%dma_wait3A_1001, %dma_wait3A_1026, %dma_wait3A_1027] : memref<2x64x64xf32, #tpu.memory_space<vmem>> -> memref<1x64x64xf32, #tpu.memory_space<vmem>>
      %dma_wait3A_1029 = tpu.memref_squeeze %dma_wait3A_1028 : memref<1x64x64xf32, #tpu.memory_space<vmem>> -> memref<64x64xf32, #tpu.memory_space<vmem>>
      tpu.wait_dma2 semaphore(%arg9 : memref<!tpu.dma_semaphore, #tpu.memory_space<semaphore_mem>>) src(%dma_wait3A_1029 : memref<64x64xf32, #tpu.memory_space<vmem>>) dst(%dma_wait3A_1020 : memref<64x64xf32, #tpu.memory_space<hbm>>)
      %dma_wait3A_1030 = arith.constant 1 : i32
      %dma_wait3A_1031 = arith.constant 0 : i32
      %dma_wait3A_1032 = arith.constant 0 : i32
      %dma_wait3A_1033 = arith.constant 0 : i32
      %dma_wait3A_1034 = tpu.memref_slice %arg7[%rem3A_996, %dma_wait3A_1031, %dma_wait3A_1032, %dma_wait3A_1033] : memref<4x2x64x64xf32, #tpu.memory_space<vmem>> -> memref<1x2x64x64xf32, #tpu.memory_space<vmem>>
      %dma_wait3A_1035 = tpu.memref_squeeze %dma_wait3A_1034 : memref<1x2x64x64xf32, #tpu.memory_space<vmem>> -> memref<2x64x64xf32, #tpu.memory_space<vmem>>
      %dma_wait3A_1036 = arith.constant 0 : i32
      %dma_wait3A_1037 = arith.constant 0 : i32
      %dma_wait3A_1038 = tpu.memref_slice %dma_wait3A_1035[%dma_wait3A_1030, %dma_wait3A_1036, %dma_wait3A_1037] : memref<2x64x64xf32, #tpu.memory_space<vmem>> -> memref<1x64x64xf32, #tpu.memory_space<vmem>>
      %dma_wait3A_1039 = tpu.memref_squeeze %dma_wait3A_1038 : memref<1x64x64xf32, #tpu.memory_space<vmem>> -> memref<64x64xf32, #tpu.memory_space<vmem>>
      %dma_wait3A_1040 = arith.constant 0 : i32
      %dma_wait3A_1041 = tpu.memref_slice %arg4[%multiple_of3A_1000, %dma_wait3A_1040] : memref<163840x128xf32, #tpu.memory_space<hbm>> -> memref<64x128xf32, #tpu.memory_space<hbm>>
      %dma_wait3A_1042 = arith.constant 0 : i32
      %dma_wait3A_1043 = arith.constant 64 : i32
      %dma_wait3A_1044 = tpu.memref_slice %dma_wait3A_1041[%dma_wait3A_1042, %dma_wait3A_1043] : memref<64x128xf32, #tpu.memory_space<hbm>> -> memref<64x64xf32, #tpu.memory_space<hbm>>
      %dma_wait3A_1045 = arith.constant 0 : i32
      %dma_wait3A_1046 = tpu.memref_slice %arg4[%multiple_of3A_1000, %dma_wait3A_1045] : memref<163840x128xf32, #tpu.memory_space<hbm>> -> memref<64x128xf32, #tpu.memory_space<hbm>>
      %dma_wait3A_1047 = arith.constant 0 : i32
      %dma_wait3A_1048 = arith.constant 64 : i32
      %dma_wait3A_1049 = tpu.memref_slice %dma_wait3A_1046[%dma_wait3A_1047, %dma_wait3A_1048] : memref<64x128xf32, #tpu.memory_space<hbm>> -> memref<64x64xf32, #tpu.memory_space<hbm>>
      %dma_wait3A_1050 = arith.constant 0 : i32
      %dma_wait3A_1051 = arith.constant 0 : i32
      %dma_wait3A_1052 = arith.constant 0 : i32
      %dma_wait3A_1053 = tpu.memref_slice %arg7[%rem3A_996, %dma_wait3A_1050, %dma_wait3A_1051, %dma_wait3A_1052] : memref<4x2x64x64xf32, #tpu.memory_space<vmem>> -> memref<1x2x64x64xf32, #tpu.memory_space<vmem>>
      %dma_wait3A_1054 = tpu.memref_squeeze %dma_wait3A_1053 : memref<1x2x64x64xf32, #tpu.memory_space<vmem>> -> memref<2x64x64xf32, #tpu.memory_space<vmem>>
      %dma_wait3A_1055 = arith.constant 0 : i32
      %dma_wait3A_1056 = arith.constant 0 : i32
      %dma_wait3A_1057 = tpu.memref_slice %dma_wait3A_1054[%dma_wait3A_1030, %dma_wait3A_1055, %dma_wait3A_1056] : memref<2x64x64xf32, #tpu.memory_space<vmem>> -> memref<1x64x64xf32, #tpu.memory_space<vmem>>
      %dma_wait3A_1058 = tpu.memref_squeeze %dma_wait3A_1057 : memref<1x64x64xf32, #tpu.memory_space<vmem>> -> memref<64x64xf32, #tpu.memory_space<vmem>>
      tpu.wait_dma2 semaphore(%arg9 : memref<!tpu.dma_semaphore, #tpu.memory_space<semaphore_mem>>) src(%dma_wait3A_1058 : memref<64x64xf32, #tpu.memory_space<vmem>>) dst(%dma_wait3A_1049 : memref<64x64xf32, #tpu.memory_space<hbm>>)
      %add3A_1059 = arith.constant 3 : i32
      %add3A_1060 = arith.addi %scan3A_886, %add3A_1059 : i32
      %add3A_1061 = arith.constant 3 : i32
      %add3A_1062 = arith.addi %scan3A_886, %add3A_1061 : i32
      %rem3A_1063 = arith.constant 4 : i32
      %rem3A_1064 = arith.remsi %add3A_1062, %rem3A_1063 : i32
      %dma_start3A_1065 = arith.constant 0 : i32
      %dma_start3A_1066 = arith.constant 0 : i32
      %dma_start3A_1067 = arith.constant 0 : i32
      %dma_start3A_1068 = arith.constant 0 : i32
      %dma_start3A_1069 = arith.constant 0 : i32
      %dma_start3A_1070 = tpu.memref_slice %arg7[%rem3A_1064, %dma_start3A_1067, %dma_start3A_1068, %dma_start3A_1069] : memref<4x2x64x64xf32, #tpu.memory_space<vmem>> -> memref<1x2x64x64xf32, #tpu.memory_space<vmem>>
      %dma_start3A_1071 = tpu.memref_squeeze %dma_start3A_1070 : memref<1x2x64x64xf32, #tpu.memory_space<vmem>> -> memref<2x64x64xf32, #tpu.memory_space<vmem>>
      %dma_start3A_1072 = arith.constant 0 : i32
      %dma_start3A_1073 = arith.constant 0 : i32
      %dma_start3A_1074 = tpu.memref_slice %dma_start3A_1071[%dma_start3A_1066, %dma_start3A_1072, %dma_start3A_1073] : memref<2x64x64xf32, #tpu.memory_space<vmem>> -> memref<1x64x64xf32, #tpu.memory_space<vmem>>
      %dma_start3A_1075 = tpu.memref_squeeze %dma_start3A_1074 : memref<1x64x64xf32, #tpu.memory_space<vmem>> -> memref<64x64xf32, #tpu.memory_space<vmem>>
      %dma_start3A_1076 = arith.constant 0 : i32
      %dma_start3A_1077 = arith.constant 0 : i32
      %dma_start3A_1078 = tpu.memref_slice %arg6[%add3A_1060, %dma_start3A_1076, %dma_start3A_1077] : memref<80x2x64xi32, #tpu.memory_space<vmem>> -> memref<1x2x64xi32, #tpu.memory_space<vmem>>
      %dma_start3A_1079 = tpu.memref_squeeze %dma_start3A_1078 : memref<1x2x64xi32, #tpu.memory_space<vmem>> -> memref<2x64xi32, #tpu.memory_space<vmem>>
      %dma_start3A_1080 = arith.constant 0 : i32
      %dma_start3A_1081 = tpu.memref_slice %dma_start3A_1079[%dma_start3A_1065, %dma_start3A_1080] : memref<2x64xi32, #tpu.memory_space<vmem>> -> memref<1x64xi32, #tpu.memory_space<vmem>>
      %dma_start3A_1082 = tpu.memref_squeeze %dma_start3A_1081 : memref<1x64xi32, #tpu.memory_space<vmem>> -> memref<64xi32, #tpu.memory_space<vmem>>
      %dma_start3A_1083 = arith.constant 0 : i32
      %dma_start3A_1084 = arith.constant 0 : i32
      %dma_start3A_1085 = tpu.memref_slice %arg3[%dma_start3A_1083, %dma_start3A_1084] : memref<1000000x64xf32, #tpu.memory_space<hbm>> -> memref<1000000x64xf32, #tpu.memory_space<hbm>>
      tpu.enqueue_indirect_dma source(%dma_start3A_1085 : memref<1000000x64xf32, #tpu.memory_space<hbm>>) target(%dma_start3A_1075 : memref<64x64xf32, #tpu.memory_space<vmem>>) offsets(%dma_start3A_1082 : memref<64xi32, #tpu.memory_space<vmem>>) semaphore(%arg8 : memref<!tpu.dma_semaphore, #tpu.memory_space<semaphore_mem>>)
      %dma_start3A_1086 = arith.constant 1 : i32
      %dma_start3A_1087 = arith.constant 1 : i32
      %dma_start3A_1088 = arith.constant 0 : i32
      %dma_start3A_1089 = arith.constant 0 : i32
      %dma_start3A_1090 = arith.constant 0 : i32
      %dma_start3A_1091 = tpu.memref_slice %arg7[%rem3A_1064, %dma_start3A_1088, %dma_start3A_1089, %dma_start3A_1090] : memref<4x2x64x64xf32, #tpu.memory_space<vmem>> -> memref<1x2x64x64xf32, #tpu.memory_space<vmem>>
      %dma_start3A_1092 = tpu.memref_squeeze %dma_start3A_1091 : memref<1x2x64x64xf32, #tpu.memory_space<vmem>> -> memref<2x64x64xf32, #tpu.memory_space<vmem>>
      %dma_start3A_1093 = arith.constant 0 : i32
      %dma_start3A_1094 = arith.constant 0 : i32
      %dma_start3A_1095 = tpu.memref_slice %dma_start3A_1092[%dma_start3A_1087, %dma_start3A_1093, %dma_start3A_1094] : memref<2x64x64xf32, #tpu.memory_space<vmem>> -> memref<1x64x64xf32, #tpu.memory_space<vmem>>
      %dma_start3A_1096 = tpu.memref_squeeze %dma_start3A_1095 : memref<1x64x64xf32, #tpu.memory_space<vmem>> -> memref<64x64xf32, #tpu.memory_space<vmem>>
      %dma_start3A_1097 = arith.constant 0 : i32
      %dma_start3A_1098 = arith.constant 0 : i32
      %dma_start3A_1099 = tpu.memref_slice %arg6[%add3A_1060, %dma_start3A_1097, %dma_start3A_1098] : memref<80x2x64xi32, #tpu.memory_space<vmem>> -> memref<1x2x64xi32, #tpu.memory_space<vmem>>
      %dma_start3A_1100 = tpu.memref_squeeze %dma_start3A_1099 : memref<1x2x64xi32, #tpu.memory_space<vmem>> -> memref<2x64xi32, #tpu.memory_space<vmem>>
      %dma_start3A_1101 = arith.constant 0 : i32
      %dma_start3A_1102 = tpu.memref_slice %dma_start3A_1100[%dma_start3A_1086, %dma_start3A_1101] : memref<2x64xi32, #tpu.memory_space<vmem>> -> memref<1x64xi32, #tpu.memory_space<vmem>>
      %dma_start3A_1103 = tpu.memref_squeeze %dma_start3A_1102 : memref<1x64xi32, #tpu.memory_space<vmem>> -> memref<64xi32, #tpu.memory_space<vmem>>
      %dma_start3A_1104 = arith.constant 0 : i32
      %dma_start3A_1105 = arith.constant 0 : i32
      %dma_start3A_1106 = tpu.memref_slice %arg3[%dma_start3A_1104, %dma_start3A_1105] : memref<1000000x64xf32, #tpu.memory_space<hbm>> -> memref<1000000x64xf32, #tpu.memory_space<hbm>>
      tpu.enqueue_indirect_dma source(%dma_start3A_1106 : memref<1000000x64xf32, #tpu.memory_space<hbm>>) target(%dma_start3A_1096 : memref<64x64xf32, #tpu.memory_space<vmem>>) offsets(%dma_start3A_1103 : memref<64xi32, #tpu.memory_space<vmem>>) semaphore(%arg8 : memref<!tpu.dma_semaphore, #tpu.memory_space<semaphore_mem>>)
    }
    %scan3A_306 = arith.constant 76 : i32
    %dma_wait3A_307 = arith.constant 77 : i32
    %dma_wait3A_308 = arith.constant 0 : i32
    %dma_wait3A_309 = arith.constant 1 : i32
    %dma_wait3A_310 = arith.constant 0 : i32
    %dma_wait3A_311 = arith.constant 0 : i32
    %dma_wait3A_312 = arith.constant 0 : i32
    %dma_wait3A_313 = arith.constant 0 : i32
    %dma_wait3A_314 = tpu.memref_slice %arg7[%dma_wait3A_309, %dma_wait3A_311, %dma_wait3A_312, %dma_wait3A_313] : memref<4x2x64x64xf32, #tpu.memory_space<vmem>> -> memref<1x2x64x64xf32, #tpu.memory_space<vmem>>
    %dma_wait3A_315 = tpu.memref_squeeze %dma_wait3A_314 : memref<1x2x64x64xf32, #tpu.memory_space<vmem>> -> memref<2x64x64xf32, #tpu.memory_space<vmem>>
    %dma_wait3A_316 = arith.constant 0 : i32
    %dma_wait3A_317 = arith.constant 0 : i32
    %dma_wait3A_318 = tpu.memref_slice %dma_wait3A_315[%dma_wait3A_310, %dma_wait3A_316, %dma_wait3A_317] : memref<2x64x64xf32, #tpu.memory_space<vmem>> -> memref<1x64x64xf32, #tpu.memory_space<vmem>>
    %dma_wait3A_319 = tpu.memref_squeeze %dma_wait3A_318 : memref<1x64x64xf32, #tpu.memory_space<vmem>> -> memref<64x64xf32, #tpu.memory_space<vmem>>
    %dma_wait3A_320 = arith.constant 0 : i32
    %dma_wait3A_321 = arith.constant 0 : i32
    %dma_wait3A_322 = tpu.memref_slice %arg6[%dma_wait3A_307, %dma_wait3A_320, %dma_wait3A_321] : memref<80x2x64xi32, #tpu.memory_space<vmem>> -> memref<1x2x64xi32, #tpu.memory_space<vmem>>
    %dma_wait3A_323 = tpu.memref_squeeze %dma_wait3A_322 : memref<1x2x64xi32, #tpu.memory_space<vmem>> -> memref<2x64xi32, #tpu.memory_space<vmem>>
    %dma_wait3A_324 = arith.constant 0 : i32
    %dma_wait3A_325 = tpu.memref_slice %dma_wait3A_323[%dma_wait3A_308, %dma_wait3A_324] : memref<2x64xi32, #tpu.memory_space<vmem>> -> memref<1x64xi32, #tpu.memory_space<vmem>>
    %dma_wait3A_326 = tpu.memref_squeeze %dma_wait3A_325 : memref<1x64xi32, #tpu.memory_space<vmem>> -> memref<64xi32, #tpu.memory_space<vmem>>
    %dma_wait3A_327 = arith.constant 0 : i32
    %dma_wait3A_328 = arith.constant 0 : i32
    %dma_wait3A_329 = tpu.memref_slice %arg3[%dma_wait3A_327, %dma_wait3A_328] : memref<1000000x64xf32, #tpu.memory_space<hbm>> -> memref<1000000x64xf32, #tpu.memory_space<hbm>>
    tpu.wait_indirect_dma semaphore(%arg8 : memref<!tpu.dma_semaphore, #tpu.memory_space<semaphore_mem>>) src(%dma_wait3A_329 : memref<1000000x64xf32, #tpu.memory_space<hbm>>) dst(%dma_wait3A_319 : memref<64x64xf32, #tpu.memory_space<vmem>>)
    %dma_wait3A_330 = arith.constant 77 : i32
    %dma_wait3A_331 = arith.constant 1 : i32
    %dma_wait3A_332 = arith.constant 1 : i32
    %dma_wait3A_333 = arith.constant 1 : i32
    %dma_wait3A_334 = arith.constant 0 : i32
    %dma_wait3A_335 = arith.constant 0 : i32
    %dma_wait3A_336 = arith.constant 0 : i32
    %dma_wait3A_337 = tpu.memref_slice %arg7[%dma_wait3A_332, %dma_wait3A_334, %dma_wait3A_335, %dma_wait3A_336] : memref<4x2x64x64xf32, #tpu.memory_space<vmem>> -> memref<1x2x64x64xf32, #tpu.memory_space<vmem>>
    %dma_wait3A_338 = tpu.memref_squeeze %dma_wait3A_337 : memref<1x2x64x64xf32, #tpu.memory_space<vmem>> -> memref<2x64x64xf32, #tpu.memory_space<vmem>>
    %dma_wait3A_339 = arith.constant 0 : i32
    %dma_wait3A_340 = arith.constant 0 : i32
    %dma_wait3A_341 = tpu.memref_slice %dma_wait3A_338[%dma_wait3A_333, %dma_wait3A_339, %dma_wait3A_340] : memref<2x64x64xf32, #tpu.memory_space<vmem>> -> memref<1x64x64xf32, #tpu.memory_space<vmem>>
    %dma_wait3A_342 = tpu.memref_squeeze %dma_wait3A_341 : memref<1x64x64xf32, #tpu.memory_space<vmem>> -> memref<64x64xf32, #tpu.memory_space<vmem>>
    %dma_wait3A_343 = arith.constant 0 : i32
    %dma_wait3A_344 = arith.constant 0 : i32
    %dma_wait3A_345 = tpu.memref_slice %arg6[%dma_wait3A_330, %dma_wait3A_343, %dma_wait3A_344] : memref<80x2x64xi32, #tpu.memory_space<vmem>> -> memref<1x2x64xi32, #tpu.memory_space<vmem>>
    %dma_wait3A_346 = tpu.memref_squeeze %dma_wait3A_345 : memref<1x2x64xi32, #tpu.memory_space<vmem>> -> memref<2x64xi32, #tpu.memory_space<vmem>>
    %dma_wait3A_347 = arith.constant 0 : i32
    %dma_wait3A_348 = tpu.memref_slice %dma_wait3A_346[%dma_wait3A_331, %dma_wait3A_347] : memref<2x64xi32, #tpu.memory_space<vmem>> -> memref<1x64xi32, #tpu.memory_space<vmem>>
    %dma_wait3A_349 = tpu.memref_squeeze %dma_wait3A_348 : memref<1x64xi32, #tpu.memory_space<vmem>> -> memref<64xi32, #tpu.memory_space<vmem>>
    %dma_wait3A_350 = arith.constant 0 : i32
    %dma_wait3A_351 = arith.constant 0 : i32
    %dma_wait3A_352 = tpu.memref_slice %arg3[%dma_wait3A_350, %dma_wait3A_351] : memref<1000000x64xf32, #tpu.memory_space<hbm>> -> memref<1000000x64xf32, #tpu.memory_space<hbm>>
    tpu.wait_indirect_dma semaphore(%arg8 : memref<!tpu.dma_semaphore, #tpu.memory_space<semaphore_mem>>) src(%dma_wait3A_352 : memref<1000000x64xf32, #tpu.memory_space<hbm>>) dst(%dma_wait3A_342 : memref<64x64xf32, #tpu.memory_space<vmem>>)
    %add3A_353 = arith.constant 4928 : i32
    %add3A_354 = arith.addi %mul3A_4, %add3A_353 : i32
    %multiple_of3A_355 = tpu.assume_multiple %add3A_354, 8 : i32
    %dma_start3A_356 = arith.constant 1 : i32
    %dma_start3A_357 = arith.constant 0 : i32
    %dma_start3A_358 = arith.constant 0 : i32
    %dma_start3A_359 = arith.constant 0 : i32
    %dma_start3A_360 = arith.constant 0 : i32
    %dma_start3A_361 = tpu.memref_slice %arg7[%dma_start3A_356, %dma_start3A_358, %dma_start3A_359, %dma_start3A_360] : memref<4x2x64x64xf32, #tpu.memory_space<vmem>> -> memref<1x2x64x64xf32, #tpu.memory_space<vmem>>
    %dma_start3A_362 = tpu.memref_squeeze %dma_start3A_361 : memref<1x2x64x64xf32, #tpu.memory_space<vmem>> -> memref<2x64x64xf32, #tpu.memory_space<vmem>>
    %dma_start3A_363 = arith.constant 0 : i32
    %dma_start3A_364 = arith.constant 0 : i32
    %dma_start3A_365 = tpu.memref_slice %dma_start3A_362[%dma_start3A_357, %dma_start3A_363, %dma_start3A_364] : memref<2x64x64xf32, #tpu.memory_space<vmem>> -> memref<1x64x64xf32, #tpu.memory_space<vmem>>
    %dma_start3A_366 = tpu.memref_squeeze %dma_start3A_365 : memref<1x64x64xf32, #tpu.memory_space<vmem>> -> memref<64x64xf32, #tpu.memory_space<vmem>>
    %dma_start3A_367 = arith.constant 0 : i32
    %dma_start3A_368 = tpu.memref_slice %arg4[%multiple_of3A_355, %dma_start3A_367] : memref<163840x128xf32, #tpu.memory_space<hbm>> -> memref<64x128xf32, #tpu.memory_space<hbm>>
    %dma_start3A_369 = arith.constant 0 : i32
    %dma_start3A_370 = arith.constant 0 : i32
    %dma_start3A_371 = tpu.memref_slice %dma_start3A_368[%dma_start3A_369, %dma_start3A_370] : memref<64x128xf32, #tpu.memory_space<hbm>> -> memref<64x64xf32, #tpu.memory_space<hbm>>
    %dma_start3A_372 = arith.constant 0 : i32
    %dma_start3A_373 = tpu.memref_slice %arg4[%multiple_of3A_355, %dma_start3A_372] : memref<163840x128xf32, #tpu.memory_space<hbm>> -> memref<64x128xf32, #tpu.memory_space<hbm>>
    %dma_start3A_374 = arith.constant 0 : i32
    %dma_start3A_375 = arith.constant 0 : i32
    %dma_start3A_376 = tpu.memref_slice %dma_start3A_373[%dma_start3A_374, %dma_start3A_375] : memref<64x128xf32, #tpu.memory_space<hbm>> -> memref<64x64xf32, #tpu.memory_space<hbm>>
    %dma_start3A_377 = arith.constant 0 : i32
    %dma_start3A_378 = arith.constant 0 : i32
    %dma_start3A_379 = arith.constant 0 : i32
    %dma_start3A_380 = tpu.memref_slice %arg7[%dma_start3A_356, %dma_start3A_377, %dma_start3A_378, %dma_start3A_379] : memref<4x2x64x64xf32, #tpu.memory_space<vmem>> -> memref<1x2x64x64xf32, #tpu.memory_space<vmem>>
    %dma_start3A_381 = tpu.memref_squeeze %dma_start3A_380 : memref<1x2x64x64xf32, #tpu.memory_space<vmem>> -> memref<2x64x64xf32, #tpu.memory_space<vmem>>
    %dma_start3A_382 = arith.constant 0 : i32
    %dma_start3A_383 = arith.constant 0 : i32
    %dma_start3A_384 = tpu.memref_slice %dma_start3A_381[%dma_start3A_357, %dma_start3A_382, %dma_start3A_383] : memref<2x64x64xf32, #tpu.memory_space<vmem>> -> memref<1x64x64xf32, #tpu.memory_space<vmem>>
    %dma_start3A_385 = tpu.memref_squeeze %dma_start3A_384 : memref<1x64x64xf32, #tpu.memory_space<vmem>> -> memref<64x64xf32, #tpu.memory_space<vmem>>
    tpu.enqueue_dma source(%dma_start3A_385 : memref<64x64xf32, #tpu.memory_space<vmem>>) target(%dma_start3A_376 : memref<64x64xf32, #tpu.memory_space<hbm>>) target_semaphore(%arg9 : memref<!tpu.dma_semaphore, #tpu.memory_space<semaphore_mem>>)
    %dma_start3A_386 = arith.constant 1 : i32
    %dma_start3A_387 = arith.constant 1 : i32
    %dma_start3A_388 = arith.constant 0 : i32
    %dma_start3A_389 = arith.constant 0 : i32
    %dma_start3A_390 = arith.constant 0 : i32
    %dma_start3A_391 = tpu.memref_slice %arg7[%dma_start3A_386, %dma_start3A_388, %dma_start3A_389, %dma_start3A_390] : memref<4x2x64x64xf32, #tpu.memory_space<vmem>> -> memref<1x2x64x64xf32, #tpu.memory_space<vmem>>
    %dma_start3A_392 = tpu.memref_squeeze %dma_start3A_391 : memref<1x2x64x64xf32, #tpu.memory_space<vmem>> -> memref<2x64x64xf32, #tpu.memory_space<vmem>>
    %dma_start3A_393 = arith.constant 0 : i32
    %dma_start3A_394 = arith.constant 0 : i32
    %dma_start3A_395 = tpu.memref_slice %dma_start3A_392[%dma_start3A_387, %dma_start3A_393, %dma_start3A_394] : memref<2x64x64xf32, #tpu.memory_space<vmem>> -> memref<1x64x64xf32, #tpu.memory_space<vmem>>
    %dma_start3A_396 = tpu.memref_squeeze %dma_start3A_395 : memref<1x64x64xf32, #tpu.memory_space<vmem>> -> memref<64x64xf32, #tpu.memory_space<vmem>>
    %dma_start3A_397 = arith.constant 0 : i32
    %dma_start3A_398 = tpu.memref_slice %arg4[%multiple_of3A_355, %dma_start3A_397] : memref<163840x128xf32, #tpu.memory_space<hbm>> -> memref<64x128xf32, #tpu.memory_space<hbm>>
    %dma_start3A_399 = arith.constant 0 : i32
    %dma_start3A_400 = arith.constant 64 : i32
    %dma_start3A_401 = tpu.memref_slice %dma_start3A_398[%dma_start3A_399, %dma_start3A_400] : memref<64x128xf32, #tpu.memory_space<hbm>> -> memref<64x64xf32, #tpu.memory_space<hbm>>
    %dma_start3A_402 = arith.constant 0 : i32
    %dma_start3A_403 = tpu.memref_slice %arg4[%multiple_of3A_355, %dma_start3A_402] : memref<163840x128xf32, #tpu.memory_space<hbm>> -> memref<64x128xf32, #tpu.memory_space<hbm>>
    %dma_start3A_404 = arith.constant 0 : i32
    %dma_start3A_405 = arith.constant 64 : i32
    %dma_start3A_406 = tpu.memref_slice %dma_start3A_403[%dma_start3A_404, %dma_start3A_405] : memref<64x128xf32, #tpu.memory_space<hbm>> -> memref<64x64xf32, #tpu.memory_space<hbm>>
    %dma_start3A_407 = arith.constant 0 : i32
    %dma_start3A_408 = arith.constant 0 : i32
    %dma_start3A_409 = arith.constant 0 : i32
    %dma_start3A_410 = tpu.memref_slice %arg7[%dma_start3A_386, %dma_start3A_407, %dma_start3A_408, %dma_start3A_409] : memref<4x2x64x64xf32, #tpu.memory_space<vmem>> -> memref<1x2x64x64xf32, #tpu.memory_space<vmem>>
    %dma_start3A_411 = tpu.memref_squeeze %dma_start3A_410 : memref<1x2x64x64xf32, #tpu.memory_space<vmem>> -> memref<2x64x64xf32, #tpu.memory_space<vmem>>
    %dma_start3A_412 = arith.constant 0 : i32
    %dma_start3A_413 = arith.constant 0 : i32
    %dma_start3A_414 = tpu.memref_slice %dma_start3A_411[%dma_start3A_387, %dma_start3A_412, %dma_start3A_413] : memref<2x64x64xf32, #tpu.memory_space<vmem>> -> memref<1x64x64xf32, #tpu.memory_space<vmem>>
    %dma_start3A_415 = tpu.memref_squeeze %dma_start3A_414 : memref<1x64x64xf32, #tpu.memory_space<vmem>> -> memref<64x64xf32, #tpu.memory_space<vmem>>
    tpu.enqueue_dma source(%dma_start3A_415 : memref<64x64xf32, #tpu.memory_space<vmem>>) target(%dma_start3A_406 : memref<64x64xf32, #tpu.memory_space<hbm>>) target_semaphore(%arg9 : memref<!tpu.dma_semaphore, #tpu.memory_space<semaphore_mem>>)
    %add3A_416 = arith.constant 4864 : i32
    %add3A_417 = arith.addi %mul3A_4, %add3A_416 : i32
    %multiple_of3A_418 = tpu.assume_multiple %add3A_417, 8 : i32
    %dma_wait3A_419 = arith.constant 0 : i32
    %dma_wait3A_420 = arith.constant 0 : i32
    %dma_wait3A_421 = arith.constant 0 : i32
    %dma_wait3A_422 = arith.constant 0 : i32
    %dma_wait3A_423 = arith.constant 0 : i32
    %dma_wait3A_424 = tpu.memref_slice %arg7[%dma_wait3A_419, %dma_wait3A_421, %dma_wait3A_422, %dma_wait3A_423] : memref<4x2x64x64xf32, #tpu.memory_space<vmem>> -> memref<1x2x64x64xf32, #tpu.memory_space<vmem>>
    %dma_wait3A_425 = tpu.memref_squeeze %dma_wait3A_424 : memref<1x2x64x64xf32, #tpu.memory_space<vmem>> -> memref<2x64x64xf32, #tpu.memory_space<vmem>>
    %dma_wait3A_426 = arith.constant 0 : i32
    %dma_wait3A_427 = arith.constant 0 : i32
    %dma_wait3A_428 = tpu.memref_slice %dma_wait3A_425[%dma_wait3A_420, %dma_wait3A_426, %dma_wait3A_427] : memref<2x64x64xf32, #tpu.memory_space<vmem>> -> memref<1x64x64xf32, #tpu.memory_space<vmem>>
    %dma_wait3A_429 = tpu.memref_squeeze %dma_wait3A_428 : memref<1x64x64xf32, #tpu.memory_space<vmem>> -> memref<64x64xf32, #tpu.memory_space<vmem>>
    %dma_wait3A_430 = arith.constant 0 : i32
    %dma_wait3A_431 = tpu.memref_slice %arg4[%multiple_of3A_418, %dma_wait3A_430] : memref<163840x128xf32, #tpu.memory_space<hbm>> -> memref<64x128xf32, #tpu.memory_space<hbm>>
    %dma_wait3A_432 = arith.constant 0 : i32
    %dma_wait3A_433 = arith.constant 0 : i32
    %dma_wait3A_434 = tpu.memref_slice %dma_wait3A_431[%dma_wait3A_432, %dma_wait3A_433] : memref<64x128xf32, #tpu.memory_space<hbm>> -> memref<64x64xf32, #tpu.memory_space<hbm>>
    %dma_wait3A_435 = arith.constant 0 : i32
    %dma_wait3A_436 = tpu.memref_slice %arg4[%multiple_of3A_418, %dma_wait3A_435] : memref<163840x128xf32, #tpu.memory_space<hbm>> -> memref<64x128xf32, #tpu.memory_space<hbm>>
    %dma_wait3A_437 = arith.constant 0 : i32
    %dma_wait3A_438 = arith.constant 0 : i32
    %dma_wait3A_439 = tpu.memref_slice %dma_wait3A_436[%dma_wait3A_437, %dma_wait3A_438] : memref<64x128xf32, #tpu.memory_space<hbm>> -> memref<64x64xf32, #tpu.memory_space<hbm>>
    %dma_wait3A_440 = arith.constant 0 : i32
    %dma_wait3A_441 = arith.constant 0 : i32
    %dma_wait3A_442 = arith.constant 0 : i32
    %dma_wait3A_443 = tpu.memref_slice %arg7[%dma_wait3A_419, %dma_wait3A_440, %dma_wait3A_441, %dma_wait3A_442] : memref<4x2x64x64xf32, #tpu.memory_space<vmem>> -> memref<1x2x64x64xf32, #tpu.memory_space<vmem>>
    %dma_wait3A_444 = tpu.memref_squeeze %dma_wait3A_443 : memref<1x2x64x64xf32, #tpu.memory_space<vmem>> -> memref<2x64x64xf32, #tpu.memory_space<vmem>>
    %dma_wait3A_445 = arith.constant 0 : i32
    %dma_wait3A_446 = arith.constant 0 : i32
    %dma_wait3A_447 = tpu.memref_slice %dma_wait3A_444[%dma_wait3A_420, %dma_wait3A_445, %dma_wait3A_446] : memref<2x64x64xf32, #tpu.memory_space<vmem>> -> memref<1x64x64xf32, #tpu.memory_space<vmem>>
    %dma_wait3A_448 = tpu.memref_squeeze %dma_wait3A_447 : memref<1x64x64xf32, #tpu.memory_space<vmem>> -> memref<64x64xf32, #tpu.memory_space<vmem>>
    tpu.wait_dma2 semaphore(%arg9 : memref<!tpu.dma_semaphore, #tpu.memory_space<semaphore_mem>>) src(%dma_wait3A_448 : memref<64x64xf32, #tpu.memory_space<vmem>>) dst(%dma_wait3A_439 : memref<64x64xf32, #tpu.memory_space<hbm>>)
    %dma_wait3A_449 = arith.constant 0 : i32
    %dma_wait3A_450 = arith.constant 1 : i32
    %dma_wait3A_451 = arith.constant 0 : i32
    %dma_wait3A_452 = arith.constant 0 : i32
    %dma_wait3A_453 = arith.constant 0 : i32
    %dma_wait3A_454 = tpu.memref_slice %arg7[%dma_wait3A_449, %dma_wait3A_451, %dma_wait3A_452, %dma_wait3A_453] : memref<4x2x64x64xf32, #tpu.memory_space<vmem>> -> memref<1x2x64x64xf32, #tpu.memory_space<vmem>>
    %dma_wait3A_455 = tpu.memref_squeeze %dma_wait3A_454 : memref<1x2x64x64xf32, #tpu.memory_space<vmem>> -> memref<2x64x64xf32, #tpu.memory_space<vmem>>
    %dma_wait3A_456 = arith.constant 0 : i32
    %dma_wait3A_457 = arith.constant 0 : i32
    %dma_wait3A_458 = tpu.memref_slice %dma_wait3A_455[%dma_wait3A_450, %dma_wait3A_456, %dma_wait3A_457] : memref<2x64x64xf32, #tpu.memory_space<vmem>> -> memref<1x64x64xf32, #tpu.memory_space<vmem>>
    %dma_wait3A_459 = tpu.memref_squeeze %dma_wait3A_458 : memref<1x64x64xf32, #tpu.memory_space<vmem>> -> memref<64x64xf32, #tpu.memory_space<vmem>>
    %dma_wait3A_460 = arith.constant 0 : i32
    %dma_wait3A_461 = tpu.memref_slice %arg4[%multiple_of3A_418, %dma_wait3A_460] : memref<163840x128xf32, #tpu.memory_space<hbm>> -> memref<64x128xf32, #tpu.memory_space<hbm>>
    %dma_wait3A_462 = arith.constant 0 : i32
    %dma_wait3A_463 = arith.constant 64 : i32
    %dma_wait3A_464 = tpu.memref_slice %dma_wait3A_461[%dma_wait3A_462, %dma_wait3A_463] : memref<64x128xf32, #tpu.memory_space<hbm>> -> memref<64x64xf32, #tpu.memory_space<hbm>>
    %dma_wait3A_465 = arith.constant 0 : i32
    %dma_wait3A_466 = tpu.memref_slice %arg4[%multiple_of3A_418, %dma_wait3A_465] : memref<163840x128xf32, #tpu.memory_space<hbm>> -> memref<64x128xf32, #tpu.memory_space<hbm>>
    %dma_wait3A_467 = arith.constant 0 : i32
    %dma_wait3A_468 = arith.constant 64 : i32
    %dma_wait3A_469 = tpu.memref_slice %dma_wait3A_466[%dma_wait3A_467, %dma_wait3A_468] : memref<64x128xf32, #tpu.memory_space<hbm>> -> memref<64x64xf32, #tpu.memory_space<hbm>>
    %dma_wait3A_470 = arith.constant 0 : i32
    %dma_wait3A_471 = arith.constant 0 : i32
    %dma_wait3A_472 = arith.constant 0 : i32
    %dma_wait3A_473 = tpu.memref_slice %arg7[%dma_wait3A_449, %dma_wait3A_470, %dma_wait3A_471, %dma_wait3A_472] : memref<4x2x64x64xf32, #tpu.memory_space<vmem>> -> memref<1x2x64x64xf32, #tpu.memory_space<vmem>>
    %dma_wait3A_474 = tpu.memref_squeeze %dma_wait3A_473 : memref<1x2x64x64xf32, #tpu.memory_space<vmem>> -> memref<2x64x64xf32, #tpu.memory_space<vmem>>
    %dma_wait3A_475 = arith.constant 0 : i32
    %dma_wait3A_476 = arith.constant 0 : i32
    %dma_wait3A_477 = tpu.memref_slice %dma_wait3A_474[%dma_wait3A_450, %dma_wait3A_475, %dma_wait3A_476] : memref<2x64x64xf32, #tpu.memory_space<vmem>> -> memref<1x64x64xf32, #tpu.memory_space<vmem>>
    %dma_wait3A_478 = tpu.memref_squeeze %dma_wait3A_477 : memref<1x64x64xf32, #tpu.memory_space<vmem>> -> memref<64x64xf32, #tpu.memory_space<vmem>>
    tpu.wait_dma2 semaphore(%arg9 : memref<!tpu.dma_semaphore, #tpu.memory_space<semaphore_mem>>) src(%dma_wait3A_478 : memref<64x64xf32, #tpu.memory_space<vmem>>) dst(%dma_wait3A_469 : memref<64x64xf32, #tpu.memory_space<hbm>>)
    %dma_wait3A_479 = arith.constant 78 : i32
    %dma_wait3A_480 = arith.constant 0 : i32
    %dma_wait3A_481 = arith.constant 2 : i32
    %dma_wait3A_482 = arith.constant 0 : i32
    %dma_wait3A_483 = arith.constant 0 : i32
    %dma_wait3A_484 = arith.constant 0 : i32
    %dma_wait3A_485 = arith.constant 0 : i32
    %dma_wait3A_486 = tpu.memref_slice %arg7[%dma_wait3A_481, %dma_wait3A_483, %dma_wait3A_484, %dma_wait3A_485] : memref<4x2x64x64xf32, #tpu.memory_space<vmem>> -> memref<1x2x64x64xf32, #tpu.memory_space<vmem>>
    %dma_wait3A_487 = tpu.memref_squeeze %dma_wait3A_486 : memref<1x2x64x64xf32, #tpu.memory_space<vmem>> -> memref<2x64x64xf32, #tpu.memory_space<vmem>>
    %dma_wait3A_488 = arith.constant 0 : i32
    %dma_wait3A_489 = arith.constant 0 : i32
    %dma_wait3A_490 = tpu.memref_slice %dma_wait3A_487[%dma_wait3A_482, %dma_wait3A_488, %dma_wait3A_489] : memref<2x64x64xf32, #tpu.memory_space<vmem>> -> memref<1x64x64xf32, #tpu.memory_space<vmem>>
    %dma_wait3A_491 = tpu.memref_squeeze %dma_wait3A_490 : memref<1x64x64xf32, #tpu.memory_space<vmem>> -> memref<64x64xf32, #tpu.memory_space<vmem>>
    %dma_wait3A_492 = arith.constant 0 : i32
    %dma_wait3A_493 = arith.constant 0 : i32
    %dma_wait3A_494 = tpu.memref_slice %arg6[%dma_wait3A_479, %dma_wait3A_492, %dma_wait3A_493] : memref<80x2x64xi32, #tpu.memory_space<vmem>> -> memref<1x2x64xi32, #tpu.memory_space<vmem>>
    %dma_wait3A_495 = tpu.memref_squeeze %dma_wait3A_494 : memref<1x2x64xi32, #tpu.memory_space<vmem>> -> memref<2x64xi32, #tpu.memory_space<vmem>>
    %dma_wait3A_496 = arith.constant 0 : i32
    %dma_wait3A_497 = tpu.memref_slice %dma_wait3A_495[%dma_wait3A_480, %dma_wait3A_496] : memref<2x64xi32, #tpu.memory_space<vmem>> -> memref<1x64xi32, #tpu.memory_space<vmem>>
    %dma_wait3A_498 = tpu.memref_squeeze %dma_wait3A_497 : memref<1x64xi32, #tpu.memory_space<vmem>> -> memref<64xi32, #tpu.memory_space<vmem>>
    %dma_wait3A_499 = arith.constant 0 : i32
    %dma_wait3A_500 = arith.constant 0 : i32
    %dma_wait3A_501 = tpu.memref_slice %arg3[%dma_wait3A_499, %dma_wait3A_500] : memref<1000000x64xf32, #tpu.memory_space<hbm>> -> memref<1000000x64xf32, #tpu.memory_space<hbm>>
    tpu.wait_indirect_dma semaphore(%arg8 : memref<!tpu.dma_semaphore, #tpu.memory_space<semaphore_mem>>) src(%dma_wait3A_501 : memref<1000000x64xf32, #tpu.memory_space<hbm>>) dst(%dma_wait3A_491 : memref<64x64xf32, #tpu.memory_space<vmem>>)
    %dma_wait3A_502 = arith.constant 78 : i32
    %dma_wait3A_503 = arith.constant 1 : i32
    %dma_wait3A_504 = arith.constant 2 : i32
    %dma_wait3A_505 = arith.constant 1 : i32
    %dma_wait3A_506 = arith.constant 0 : i32
    %dma_wait3A_507 = arith.constant 0 : i32
    %dma_wait3A_508 = arith.constant 0 : i32
    %dma_wait3A_509 = tpu.memref_slice %arg7[%dma_wait3A_504, %dma_wait3A_506, %dma_wait3A_507, %dma_wait3A_508] : memref<4x2x64x64xf32, #tpu.memory_space<vmem>> -> memref<1x2x64x64xf32, #tpu.memory_space<vmem>>
    %dma_wait3A_510 = tpu.memref_squeeze %dma_wait3A_509 : memref<1x2x64x64xf32, #tpu.memory_space<vmem>> -> memref<2x64x64xf32, #tpu.memory_space<vmem>>
    %dma_wait3A_511 = arith.constant 0 : i32
    %dma_wait3A_512 = arith.constant 0 : i32
    %dma_wait3A_513 = tpu.memref_slice %dma_wait3A_510[%dma_wait3A_505, %dma_wait3A_511, %dma_wait3A_512] : memref<2x64x64xf32, #tpu.memory_space<vmem>> -> memref<1x64x64xf32, #tpu.memory_space<vmem>>
    %dma_wait3A_514 = tpu.memref_squeeze %dma_wait3A_513 : memref<1x64x64xf32, #tpu.memory_space<vmem>> -> memref<64x64xf32, #tpu.memory_space<vmem>>
    %dma_wait3A_515 = arith.constant 0 : i32
    %dma_wait3A_516 = arith.constant 0 : i32
    %dma_wait3A_517 = tpu.memref_slice %arg6[%dma_wait3A_502, %dma_wait3A_515, %dma_wait3A_516] : memref<80x2x64xi32, #tpu.memory_space<vmem>> -> memref<1x2x64xi32, #tpu.memory_space<vmem>>
    %dma_wait3A_518 = tpu.memref_squeeze %dma_wait3A_517 : memref<1x2x64xi32, #tpu.memory_space<vmem>> -> memref<2x64xi32, #tpu.memory_space<vmem>>
    %dma_wait3A_519 = arith.constant 0 : i32
    %dma_wait3A_520 = tpu.memref_slice %dma_wait3A_518[%dma_wait3A_503, %dma_wait3A_519] : memref<2x64xi32, #tpu.memory_space<vmem>> -> memref<1x64xi32, #tpu.memory_space<vmem>>
    %dma_wait3A_521 = tpu.memref_squeeze %dma_wait3A_520 : memref<1x64xi32, #tpu.memory_space<vmem>> -> memref<64xi32, #tpu.memory_space<vmem>>
    %dma_wait3A_522 = arith.constant 0 : i32
    %dma_wait3A_523 = arith.constant 0 : i32
    %dma_wait3A_524 = tpu.memref_slice %arg3[%dma_wait3A_522, %dma_wait3A_523] : memref<1000000x64xf32, #tpu.memory_space<hbm>> -> memref<1000000x64xf32, #tpu.memory_space<hbm>>
    tpu.wait_indirect_dma semaphore(%arg8 : memref<!tpu.dma_semaphore, #tpu.memory_space<semaphore_mem>>) src(%dma_wait3A_524 : memref<1000000x64xf32, #tpu.memory_space<hbm>>) dst(%dma_wait3A_514 : memref<64x64xf32, #tpu.memory_space<vmem>>)
    %add3A_525 = arith.constant 4992 : i32
    %add3A_526 = arith.addi %mul3A_4, %add3A_525 : i32
    %multiple_of3A_527 = tpu.assume_multiple %add3A_526, 8 : i32
    %dma_start3A_528 = arith.constant 2 : i32
    %dma_start3A_529 = arith.constant 0 : i32
    %dma_start3A_530 = arith.constant 0 : i32
    %dma_start3A_531 = arith.constant 0 : i32
    %dma_start3A_532 = arith.constant 0 : i32
    %dma_start3A_533 = tpu.memref_slice %arg7[%dma_start3A_528, %dma_start3A_530, %dma_start3A_531, %dma_start3A_532] : memref<4x2x64x64xf32, #tpu.memory_space<vmem>> -> memref<1x2x64x64xf32, #tpu.memory_space<vmem>>
    %dma_start3A_534 = tpu.memref_squeeze %dma_start3A_533 : memref<1x2x64x64xf32, #tpu.memory_space<vmem>> -> memref<2x64x64xf32, #tpu.memory_space<vmem>>
    %dma_start3A_535 = arith.constant 0 : i32
    %dma_start3A_536 = arith.constant 0 : i32
    %dma_start3A_537 = tpu.memref_slice %dma_start3A_534[%dma_start3A_529, %dma_start3A_535, %dma_start3A_536] : memref<2x64x64xf32, #tpu.memory_space<vmem>> -> memref<1x64x64xf32, #tpu.memory_space<vmem>>
    %dma_start3A_538 = tpu.memref_squeeze %dma_start3A_537 : memref<1x64x64xf32, #tpu.memory_space<vmem>> -> memref<64x64xf32, #tpu.memory_space<vmem>>
    %dma_start3A_539 = arith.constant 0 : i32
    %dma_start3A_540 = tpu.memref_slice %arg4[%multiple_of3A_527, %dma_start3A_539] : memref<163840x128xf32, #tpu.memory_space<hbm>> -> memref<64x128xf32, #tpu.memory_space<hbm>>
    %dma_start3A_541 = arith.constant 0 : i32
    %dma_start3A_542 = arith.constant 0 : i32
    %dma_start3A_543 = tpu.memref_slice %dma_start3A_540[%dma_start3A_541, %dma_start3A_542] : memref<64x128xf32, #tpu.memory_space<hbm>> -> memref<64x64xf32, #tpu.memory_space<hbm>>
    %dma_start3A_544 = arith.constant 0 : i32
    %dma_start3A_545 = tpu.memref_slice %arg4[%multiple_of3A_527, %dma_start3A_544] : memref<163840x128xf32, #tpu.memory_space<hbm>> -> memref<64x128xf32, #tpu.memory_space<hbm>>
    %dma_start3A_546 = arith.constant 0 : i32
    %dma_start3A_547 = arith.constant 0 : i32
    %dma_start3A_548 = tpu.memref_slice %dma_start3A_545[%dma_start3A_546, %dma_start3A_547] : memref<64x128xf32, #tpu.memory_space<hbm>> -> memref<64x64xf32, #tpu.memory_space<hbm>>
    %dma_start3A_549 = arith.constant 0 : i32
    %dma_start3A_550 = arith.constant 0 : i32
    %dma_start3A_551 = arith.constant 0 : i32
    %dma_start3A_552 = tpu.memref_slice %arg7[%dma_start3A_528, %dma_start3A_549, %dma_start3A_550, %dma_start3A_551] : memref<4x2x64x64xf32, #tpu.memory_space<vmem>> -> memref<1x2x64x64xf32, #tpu.memory_space<vmem>>
    %dma_start3A_553 = tpu.memref_squeeze %dma_start3A_552 : memref<1x2x64x64xf32, #tpu.memory_space<vmem>> -> memref<2x64x64xf32, #tpu.memory_space<vmem>>
    %dma_start3A_554 = arith.constant 0 : i32
    %dma_start3A_555 = arith.constant 0 : i32
    %dma_start3A_556 = tpu.memref_slice %dma_start3A_553[%dma_start3A_529, %dma_start3A_554, %dma_start3A_555] : memref<2x64x64xf32, #tpu.memory_space<vmem>> -> memref<1x64x64xf32, #tpu.memory_space<vmem>>
    %dma_start3A_557 = tpu.memref_squeeze %dma_start3A_556 : memref<1x64x64xf32, #tpu.memory_space<vmem>> -> memref<64x64xf32, #tpu.memory_space<vmem>>
    tpu.enqueue_dma source(%dma_start3A_557 : memref<64x64xf32, #tpu.memory_space<vmem>>) target(%dma_start3A_548 : memref<64x64xf32, #tpu.memory_space<hbm>>) target_semaphore(%arg9 : memref<!tpu.dma_semaphore, #tpu.memory_space<semaphore_mem>>)
    %dma_start3A_558 = arith.constant 2 : i32
    %dma_start3A_559 = arith.constant 1 : i32
    %dma_start3A_560 = arith.constant 0 : i32
    %dma_start3A_561 = arith.constant 0 : i32
    %dma_start3A_562 = arith.constant 0 : i32
    %dma_start3A_563 = tpu.memref_slice %arg7[%dma_start3A_558, %dma_start3A_560, %dma_start3A_561, %dma_start3A_562] : memref<4x2x64x64xf32, #tpu.memory_space<vmem>> -> memref<1x2x64x64xf32, #tpu.memory_space<vmem>>
    %dma_start3A_564 = tpu.memref_squeeze %dma_start3A_563 : memref<1x2x64x64xf32, #tpu.memory_space<vmem>> -> memref<2x64x64xf32, #tpu.memory_space<vmem>>
    %dma_start3A_565 = arith.constant 0 : i32
    %dma_start3A_566 = arith.constant 0 : i32
    %dma_start3A_567 = tpu.memref_slice %dma_start3A_564[%dma_start3A_559, %dma_start3A_565, %dma_start3A_566] : memref<2x64x64xf32, #tpu.memory_space<vmem>> -> memref<1x64x64xf32, #tpu.memory_space<vmem>>
    %dma_start3A_568 = tpu.memref_squeeze %dma_start3A_567 : memref<1x64x64xf32, #tpu.memory_space<vmem>> -> memref<64x64xf32, #tpu.memory_space<vmem>>
    %dma_start3A_569 = arith.constant 0 : i32
    %dma_start3A_570 = tpu.memref_slice %arg4[%multiple_of3A_527, %dma_start3A_569] : memref<163840x128xf32, #tpu.memory_space<hbm>> -> memref<64x128xf32, #tpu.memory_space<hbm>>
    %dma_start3A_571 = arith.constant 0 : i32
    %dma_start3A_572 = arith.constant 64 : i32
    %dma_start3A_573 = tpu.memref_slice %dma_start3A_570[%dma_start3A_571, %dma_start3A_572] : memref<64x128xf32, #tpu.memory_space<hbm>> -> memref<64x64xf32, #tpu.memory_space<hbm>>
    %dma_start3A_574 = arith.constant 0 : i32
    %dma_start3A_575 = tpu.memref_slice %arg4[%multiple_of3A_527, %dma_start3A_574] : memref<163840x128xf32, #tpu.memory_space<hbm>> -> memref<64x128xf32, #tpu.memory_space<hbm>>
    %dma_start3A_576 = arith.constant 0 : i32
    %dma_start3A_577 = arith.constant 64 : i32
    %dma_start3A_578 = tpu.memref_slice %dma_start3A_575[%dma_start3A_576, %dma_start3A_577] : memref<64x128xf32, #tpu.memory_space<hbm>> -> memref<64x64xf32, #tpu.memory_space<hbm>>
    %dma_start3A_579 = arith.constant 0 : i32
    %dma_start3A_580 = arith.constant 0 : i32
    %dma_start3A_581 = arith.constant 0 : i32
    %dma_start3A_582 = tpu.memref_slice %arg7[%dma_start3A_558, %dma_start3A_579, %dma_start3A_580, %dma_start3A_581] : memref<4x2x64x64xf32, #tpu.memory_space<vmem>> -> memref<1x2x64x64xf32, #tpu.memory_space<vmem>>
    %dma_start3A_583 = tpu.memref_squeeze %dma_start3A_582 : memref<1x2x64x64xf32, #tpu.memory_space<vmem>> -> memref<2x64x64xf32, #tpu.memory_space<vmem>>
    %dma_start3A_584 = arith.constant 0 : i32
    %dma_start3A_585 = arith.constant 0 : i32
    %dma_start3A_586 = tpu.memref_slice %dma_start3A_583[%dma_start3A_559, %dma_start3A_584, %dma_start3A_585] : memref<2x64x64xf32, #tpu.memory_space<vmem>> -> memref<1x64x64xf32, #tpu.memory_space<vmem>>
    %dma_start3A_587 = tpu.memref_squeeze %dma_start3A_586 : memref<1x64x64xf32, #tpu.memory_space<vmem>> -> memref<64x64xf32, #tpu.memory_space<vmem>>
    tpu.enqueue_dma source(%dma_start3A_587 : memref<64x64xf32, #tpu.memory_space<vmem>>) target(%dma_start3A_578 : memref<64x64xf32, #tpu.memory_space<hbm>>) target_semaphore(%arg9 : memref<!tpu.dma_semaphore, #tpu.memory_space<semaphore_mem>>)
    %add3A_588 = arith.constant 4928 : i32
    %add3A_589 = arith.addi %mul3A_4, %add3A_588 : i32
    %multiple_of3A_590 = tpu.assume_multiple %add3A_589, 8 : i32
    %dma_wait3A_591 = arith.constant 1 : i32
    %dma_wait3A_592 = arith.constant 0 : i32
    %dma_wait3A_593 = arith.constant 0 : i32
    %dma_wait3A_594 = arith.constant 0 : i32
    %dma_wait3A_595 = arith.constant 0 : i32
    %dma_wait3A_596 = tpu.memref_slice %arg7[%dma_wait3A_591, %dma_wait3A_593, %dma_wait3A_594, %dma_wait3A_595] : memref<4x2x64x64xf32, #tpu.memory_space<vmem>> -> memref<1x2x64x64xf32, #tpu.memory_space<vmem>>
    %dma_wait3A_597 = tpu.memref_squeeze %dma_wait3A_596 : memref<1x2x64x64xf32, #tpu.memory_space<vmem>> -> memref<2x64x64xf32, #tpu.memory_space<vmem>>
    %dma_wait3A_598 = arith.constant 0 : i32
    %dma_wait3A_599 = arith.constant 0 : i32
    %dma_wait3A_600 = tpu.memref_slice %dma_wait3A_597[%dma_wait3A_592, %dma_wait3A_598, %dma_wait3A_599] : memref<2x64x64xf32, #tpu.memory_space<vmem>> -> memref<1x64x64xf32, #tpu.memory_space<vmem>>
    %dma_wait3A_601 = tpu.memref_squeeze %dma_wait3A_600 : memref<1x64x64xf32, #tpu.memory_space<vmem>> -> memref<64x64xf32, #tpu.memory_space<vmem>>
    %dma_wait3A_602 = arith.constant 0 : i32
    %dma_wait3A_603 = tpu.memref_slice %arg4[%multiple_of3A_590, %dma_wait3A_602] : memref<163840x128xf32, #tpu.memory_space<hbm>> -> memref<64x128xf32, #tpu.memory_space<hbm>>
    %dma_wait3A_604 = arith.constant 0 : i32
    %dma_wait3A_605 = arith.constant 0 : i32
    %dma_wait3A_606 = tpu.memref_slice %dma_wait3A_603[%dma_wait3A_604, %dma_wait3A_605] : memref<64x128xf32, #tpu.memory_space<hbm>> -> memref<64x64xf32, #tpu.memory_space<hbm>>
    %dma_wait3A_607 = arith.constant 0 : i32
    %dma_wait3A_608 = tpu.memref_slice %arg4[%multiple_of3A_590, %dma_wait3A_607] : memref<163840x128xf32, #tpu.memory_space<hbm>> -> memref<64x128xf32, #tpu.memory_space<hbm>>
    %dma_wait3A_609 = arith.constant 0 : i32
    %dma_wait3A_610 = arith.constant 0 : i32
    %dma_wait3A_611 = tpu.memref_slice %dma_wait3A_608[%dma_wait3A_609, %dma_wait3A_610] : memref<64x128xf32, #tpu.memory_space<hbm>> -> memref<64x64xf32, #tpu.memory_space<hbm>>
    %dma_wait3A_612 = arith.constant 0 : i32
    %dma_wait3A_613 = arith.constant 0 : i32
    %dma_wait3A_614 = arith.constant 0 : i32
    %dma_wait3A_615 = tpu.memref_slice %arg7[%dma_wait3A_591, %dma_wait3A_612, %dma_wait3A_613, %dma_wait3A_614] : memref<4x2x64x64xf32, #tpu.memory_space<vmem>> -> memref<1x2x64x64xf32, #tpu.memory_space<vmem>>
    %dma_wait3A_616 = tpu.memref_squeeze %dma_wait3A_615 : memref<1x2x64x64xf32, #tpu.memory_space<vmem>> -> memref<2x64x64xf32, #tpu.memory_space<vmem>>
    %dma_wait3A_617 = arith.constant 0 : i32
    %dma_wait3A_618 = arith.constant 0 : i32
    %dma_wait3A_619 = tpu.memref_slice %dma_wait3A_616[%dma_wait3A_592, %dma_wait3A_617, %dma_wait3A_618] : memref<2x64x64xf32, #tpu.memory_space<vmem>> -> memref<1x64x64xf32, #tpu.memory_space<vmem>>
    %dma_wait3A_620 = tpu.memref_squeeze %dma_wait3A_619 : memref<1x64x64xf32, #tpu.memory_space<vmem>> -> memref<64x64xf32, #tpu.memory_space<vmem>>
    tpu.wait_dma2 semaphore(%arg9 : memref<!tpu.dma_semaphore, #tpu.memory_space<semaphore_mem>>) src(%dma_wait3A_620 : memref<64x64xf32, #tpu.memory_space<vmem>>) dst(%dma_wait3A_611 : memref<64x64xf32, #tpu.memory_space<hbm>>)
    %dma_wait3A_621 = arith.constant 1 : i32
    %dma_wait3A_622 = arith.constant 1 : i32
    %dma_wait3A_623 = arith.constant 0 : i32
    %dma_wait3A_624 = arith.constant 0 : i32
    %dma_wait3A_625 = arith.constant 0 : i32
    %dma_wait3A_626 = tpu.memref_slice %arg7[%dma_wait3A_621, %dma_wait3A_623, %dma_wait3A_624, %dma_wait3A_625] : memref<4x2x64x64xf32, #tpu.memory_space<vmem>> -> memref<1x2x64x64xf32, #tpu.memory_space<vmem>>
    %dma_wait3A_627 = tpu.memref_squeeze %dma_wait3A_626 : memref<1x2x64x64xf32, #tpu.memory_space<vmem>> -> memref<2x64x64xf32, #tpu.memory_space<vmem>>
    %dma_wait3A_628 = arith.constant 0 : i32
    %dma_wait3A_629 = arith.constant 0 : i32
    %dma_wait3A_630 = tpu.memref_slice %dma_wait3A_627[%dma_wait3A_622, %dma_wait3A_628, %dma_wait3A_629] : memref<2x64x64xf32, #tpu.memory_space<vmem>> -> memref<1x64x64xf32, #tpu.memory_space<vmem>>
    %dma_wait3A_631 = tpu.memref_squeeze %dma_wait3A_630 : memref<1x64x64xf32, #tpu.memory_space<vmem>> -> memref<64x64xf32, #tpu.memory_space<vmem>>
    %dma_wait3A_632 = arith.constant 0 : i32
    %dma_wait3A_633 = tpu.memref_slice %arg4[%multiple_of3A_590, %dma_wait3A_632] : memref<163840x128xf32, #tpu.memory_space<hbm>> -> memref<64x128xf32, #tpu.memory_space<hbm>>
    %dma_wait3A_634 = arith.constant 0 : i32
    %dma_wait3A_635 = arith.constant 64 : i32
    %dma_wait3A_636 = tpu.memref_slice %dma_wait3A_633[%dma_wait3A_634, %dma_wait3A_635] : memref<64x128xf32, #tpu.memory_space<hbm>> -> memref<64x64xf32, #tpu.memory_space<hbm>>
    %dma_wait3A_637 = arith.constant 0 : i32
    %dma_wait3A_638 = tpu.memref_slice %arg4[%multiple_of3A_590, %dma_wait3A_637] : memref<163840x128xf32, #tpu.memory_space<hbm>> -> memref<64x128xf32, #tpu.memory_space<hbm>>
    %dma_wait3A_639 = arith.constant 0 : i32
    %dma_wait3A_640 = arith.constant 64 : i32
    %dma_wait3A_641 = tpu.memref_slice %dma_wait3A_638[%dma_wait3A_639, %dma_wait3A_640] : memref<64x128xf32, #tpu.memory_space<hbm>> -> memref<64x64xf32, #tpu.memory_space<hbm>>
    %dma_wait3A_642 = arith.constant 0 : i32
    %dma_wait3A_643 = arith.constant 0 : i32
    %dma_wait3A_644 = arith.constant 0 : i32
    %dma_wait3A_645 = tpu.memref_slice %arg7[%dma_wait3A_621, %dma_wait3A_642, %dma_wait3A_643, %dma_wait3A_644] : memref<4x2x64x64xf32, #tpu.memory_space<vmem>> -> memref<1x2x64x64xf32, #tpu.memory_space<vmem>>
    %dma_wait3A_646 = tpu.memref_squeeze %dma_wait3A_645 : memref<1x2x64x64xf32, #tpu.memory_space<vmem>> -> memref<2x64x64xf32, #tpu.memory_space<vmem>>
    %dma_wait3A_647 = arith.constant 0 : i32
    %dma_wait3A_648 = arith.constant 0 : i32
    %dma_wait3A_649 = tpu.memref_slice %dma_wait3A_646[%dma_wait3A_622, %dma_wait3A_647, %dma_wait3A_648] : memref<2x64x64xf32, #tpu.memory_space<vmem>> -> memref<1x64x64xf32, #tpu.memory_space<vmem>>
    %dma_wait3A_650 = tpu.memref_squeeze %dma_wait3A_649 : memref<1x64x64xf32, #tpu.memory_space<vmem>> -> memref<64x64xf32, #tpu.memory_space<vmem>>
    tpu.wait_dma2 semaphore(%arg9 : memref<!tpu.dma_semaphore, #tpu.memory_space<semaphore_mem>>) src(%dma_wait3A_650 : memref<64x64xf32, #tpu.memory_space<vmem>>) dst(%dma_wait3A_641 : memref<64x64xf32, #tpu.memory_space<hbm>>)
    %dma_wait3A_651 = arith.constant 79 : i32
    %dma_wait3A_652 = arith.constant 0 : i32
    %dma_wait3A_653 = arith.constant 3 : i32
    %dma_wait3A_654 = arith.constant 0 : i32
    %dma_wait3A_655 = arith.constant 0 : i32
    %dma_wait3A_656 = arith.constant 0 : i32
    %dma_wait3A_657 = arith.constant 0 : i32
    %dma_wait3A_658 = tpu.memref_slice %arg7[%dma_wait3A_653, %dma_wait3A_655, %dma_wait3A_656, %dma_wait3A_657] : memref<4x2x64x64xf32, #tpu.memory_space<vmem>> -> memref<1x2x64x64xf32, #tpu.memory_space<vmem>>
    %dma_wait3A_659 = tpu.memref_squeeze %dma_wait3A_658 : memref<1x2x64x64xf32, #tpu.memory_space<vmem>> -> memref<2x64x64xf32, #tpu.memory_space<vmem>>
    %dma_wait3A_660 = arith.constant 0 : i32
    %dma_wait3A_661 = arith.constant 0 : i32
    %dma_wait3A_662 = tpu.memref_slice %dma_wait3A_659[%dma_wait3A_654, %dma_wait3A_660, %dma_wait3A_661] : memref<2x64x64xf32, #tpu.memory_space<vmem>> -> memref<1x64x64xf32, #tpu.memory_space<vmem>>
    %dma_wait3A_663 = tpu.memref_squeeze %dma_wait3A_662 : memref<1x64x64xf32, #tpu.memory_space<vmem>> -> memref<64x64xf32, #tpu.memory_space<vmem>>
    %dma_wait3A_664 = arith.constant 0 : i32
    %dma_wait3A_665 = arith.constant 0 : i32
    %dma_wait3A_666 = tpu.memref_slice %arg6[%dma_wait3A_651, %dma_wait3A_664, %dma_wait3A_665] : memref<80x2x64xi32, #tpu.memory_space<vmem>> -> memref<1x2x64xi32, #tpu.memory_space<vmem>>
    %dma_wait3A_667 = tpu.memref_squeeze %dma_wait3A_666 : memref<1x2x64xi32, #tpu.memory_space<vmem>> -> memref<2x64xi32, #tpu.memory_space<vmem>>
    %dma_wait3A_668 = arith.constant 0 : i32
    %dma_wait3A_669 = tpu.memref_slice %dma_wait3A_667[%dma_wait3A_652, %dma_wait3A_668] : memref<2x64xi32, #tpu.memory_space<vmem>> -> memref<1x64xi32, #tpu.memory_space<vmem>>
    %dma_wait3A_670 = tpu.memref_squeeze %dma_wait3A_669 : memref<1x64xi32, #tpu.memory_space<vmem>> -> memref<64xi32, #tpu.memory_space<vmem>>
    %dma_wait3A_671 = arith.constant 0 : i32
    %dma_wait3A_672 = arith.constant 0 : i32
    %dma_wait3A_673 = tpu.memref_slice %arg3[%dma_wait3A_671, %dma_wait3A_672] : memref<1000000x64xf32, #tpu.memory_space<hbm>> -> memref<1000000x64xf32, #tpu.memory_space<hbm>>
    tpu.wait_indirect_dma semaphore(%arg8 : memref<!tpu.dma_semaphore, #tpu.memory_space<semaphore_mem>>) src(%dma_wait3A_673 : memref<1000000x64xf32, #tpu.memory_space<hbm>>) dst(%dma_wait3A_663 : memref<64x64xf32, #tpu.memory_space<vmem>>)
    %dma_wait3A_674 = arith.constant 79 : i32
    %dma_wait3A_675 = arith.constant 1 : i32
    %dma_wait3A_676 = arith.constant 3 : i32
    %dma_wait3A_677 = arith.constant 1 : i32
    %dma_wait3A_678 = arith.constant 0 : i32
    %dma_wait3A_679 = arith.constant 0 : i32
    %dma_wait3A_680 = arith.constant 0 : i32
    %dma_wait3A_681 = tpu.memref_slice %arg7[%dma_wait3A_676, %dma_wait3A_678, %dma_wait3A_679, %dma_wait3A_680] : memref<4x2x64x64xf32, #tpu.memory_space<vmem>> -> memref<1x2x64x64xf32, #tpu.memory_space<vmem>>
    %dma_wait3A_682 = tpu.memref_squeeze %dma_wait3A_681 : memref<1x2x64x64xf32, #tpu.memory_space<vmem>> -> memref<2x64x64xf32, #tpu.memory_space<vmem>>
    %dma_wait3A_683 = arith.constant 0 : i32
    %dma_wait3A_684 = arith.constant 0 : i32
    %dma_wait3A_685 = tpu.memref_slice %dma_wait3A_682[%dma_wait3A_677, %dma_wait3A_683, %dma_wait3A_684] : memref<2x64x64xf32, #tpu.memory_space<vmem>> -> memref<1x64x64xf32, #tpu.memory_space<vmem>>
    %dma_wait3A_686 = tpu.memref_squeeze %dma_wait3A_685 : memref<1x64x64xf32, #tpu.memory_space<vmem>> -> memref<64x64xf32, #tpu.memory_space<vmem>>
    %dma_wait3A_687 = arith.constant 0 : i32
    %dma_wait3A_688 = arith.constant 0 : i32
    %dma_wait3A_689 = tpu.memref_slice %arg6[%dma_wait3A_674, %dma_wait3A_687, %dma_wait3A_688] : memref<80x2x64xi32, #tpu.memory_space<vmem>> -> memref<1x2x64xi32, #tpu.memory_space<vmem>>
    %dma_wait3A_690 = tpu.memref_squeeze %dma_wait3A_689 : memref<1x2x64xi32, #tpu.memory_space<vmem>> -> memref<2x64xi32, #tpu.memory_space<vmem>>
    %dma_wait3A_691 = arith.constant 0 : i32
    %dma_wait3A_692 = tpu.memref_slice %dma_wait3A_690[%dma_wait3A_675, %dma_wait3A_691] : memref<2x64xi32, #tpu.memory_space<vmem>> -> memref<1x64xi32, #tpu.memory_space<vmem>>
    %dma_wait3A_693 = tpu.memref_squeeze %dma_wait3A_692 : memref<1x64xi32, #tpu.memory_space<vmem>> -> memref<64xi32, #tpu.memory_space<vmem>>
    %dma_wait3A_694 = arith.constant 0 : i32
    %dma_wait3A_695 = arith.constant 0 : i32
    %dma_wait3A_696 = tpu.memref_slice %arg3[%dma_wait3A_694, %dma_wait3A_695] : memref<1000000x64xf32, #tpu.memory_space<hbm>> -> memref<1000000x64xf32, #tpu.memory_space<hbm>>
    tpu.wait_indirect_dma semaphore(%arg8 : memref<!tpu.dma_semaphore, #tpu.memory_space<semaphore_mem>>) src(%dma_wait3A_696 : memref<1000000x64xf32, #tpu.memory_space<hbm>>) dst(%dma_wait3A_686 : memref<64x64xf32, #tpu.memory_space<vmem>>)
    %add3A_697 = arith.constant 5056 : i32
    %add3A_698 = arith.addi %mul3A_4, %add3A_697 : i32
    %multiple_of3A_699 = tpu.assume_multiple %add3A_698, 8 : i32
    %dma_start3A_700 = arith.constant 3 : i32
    %dma_start3A_701 = arith.constant 0 : i32
    %dma_start3A_702 = arith.constant 0 : i32
    %dma_start3A_703 = arith.constant 0 : i32
    %dma_start3A_704 = arith.constant 0 : i32
    %dma_start3A_705 = tpu.memref_slice %arg7[%dma_start3A_700, %dma_start3A_702, %dma_start3A_703, %dma_start3A_704] : memref<4x2x64x64xf32, #tpu.memory_space<vmem>> -> memref<1x2x64x64xf32, #tpu.memory_space<vmem>>
    %dma_start3A_706 = tpu.memref_squeeze %dma_start3A_705 : memref<1x2x64x64xf32, #tpu.memory_space<vmem>> -> memref<2x64x64xf32, #tpu.memory_space<vmem>>
    %dma_start3A_707 = arith.constant 0 : i32
    %dma_start3A_708 = arith.constant 0 : i32
    %dma_start3A_709 = tpu.memref_slice %dma_start3A_706[%dma_start3A_701, %dma_start3A_707, %dma_start3A_708] : memref<2x64x64xf32, #tpu.memory_space<vmem>> -> memref<1x64x64xf32, #tpu.memory_space<vmem>>
    %dma_start3A_710 = tpu.memref_squeeze %dma_start3A_709 : memref<1x64x64xf32, #tpu.memory_space<vmem>> -> memref<64x64xf32, #tpu.memory_space<vmem>>
    %dma_start3A_711 = arith.constant 0 : i32
    %dma_start3A_712 = tpu.memref_slice %arg4[%multiple_of3A_699, %dma_start3A_711] : memref<163840x128xf32, #tpu.memory_space<hbm>> -> memref<64x128xf32, #tpu.memory_space<hbm>>
    %dma_start3A_713 = arith.constant 0 : i32
    %dma_start3A_714 = arith.constant 0 : i32
    %dma_start3A_715 = tpu.memref_slice %dma_start3A_712[%dma_start3A_713, %dma_start3A_714] : memref<64x128xf32, #tpu.memory_space<hbm>> -> memref<64x64xf32, #tpu.memory_space<hbm>>
    %dma_start3A_716 = arith.constant 0 : i32
    %dma_start3A_717 = tpu.memref_slice %arg4[%multiple_of3A_699, %dma_start3A_716] : memref<163840x128xf32, #tpu.memory_space<hbm>> -> memref<64x128xf32, #tpu.memory_space<hbm>>
    %dma_start3A_718 = arith.constant 0 : i32
    %dma_start3A_719 = arith.constant 0 : i32
    %dma_start3A_720 = tpu.memref_slice %dma_start3A_717[%dma_start3A_718, %dma_start3A_719] : memref<64x128xf32, #tpu.memory_space<hbm>> -> memref<64x64xf32, #tpu.memory_space<hbm>>
    %dma_start3A_721 = arith.constant 0 : i32
    %dma_start3A_722 = arith.constant 0 : i32
    %dma_start3A_723 = arith.constant 0 : i32
    %dma_start3A_724 = tpu.memref_slice %arg7[%dma_start3A_700, %dma_start3A_721, %dma_start3A_722, %dma_start3A_723] : memref<4x2x64x64xf32, #tpu.memory_space<vmem>> -> memref<1x2x64x64xf32, #tpu.memory_space<vmem>>
    %dma_start3A_725 = tpu.memref_squeeze %dma_start3A_724 : memref<1x2x64x64xf32, #tpu.memory_space<vmem>> -> memref<2x64x64xf32, #tpu.memory_space<vmem>>
    %dma_start3A_726 = arith.constant 0 : i32
    %dma_start3A_727 = arith.constant 0 : i32
    %dma_start3A_728 = tpu.memref_slice %dma_start3A_725[%dma_start3A_701, %dma_start3A_726, %dma_start3A_727] : memref<2x64x64xf32, #tpu.memory_space<vmem>> -> memref<1x64x64xf32, #tpu.memory_space<vmem>>
    %dma_start3A_729 = tpu.memref_squeeze %dma_start3A_728 : memref<1x64x64xf32, #tpu.memory_space<vmem>> -> memref<64x64xf32, #tpu.memory_space<vmem>>
    tpu.enqueue_dma source(%dma_start3A_729 : memref<64x64xf32, #tpu.memory_space<vmem>>) target(%dma_start3A_720 : memref<64x64xf32, #tpu.memory_space<hbm>>) target_semaphore(%arg9 : memref<!tpu.dma_semaphore, #tpu.memory_space<semaphore_mem>>)
    %dma_start3A_730 = arith.constant 3 : i32
    %dma_start3A_731 = arith.constant 1 : i32
    %dma_start3A_732 = arith.constant 0 : i32
    %dma_start3A_733 = arith.constant 0 : i32
    %dma_start3A_734 = arith.constant 0 : i32
    %dma_start3A_735 = tpu.memref_slice %arg7[%dma_start3A_730, %dma_start3A_732, %dma_start3A_733, %dma_start3A_734] : memref<4x2x64x64xf32, #tpu.memory_space<vmem>> -> memref<1x2x64x64xf32, #tpu.memory_space<vmem>>
    %dma_start3A_736 = tpu.memref_squeeze %dma_start3A_735 : memref<1x2x64x64xf32, #tpu.memory_space<vmem>> -> memref<2x64x64xf32, #tpu.memory_space<vmem>>
    %dma_start3A_737 = arith.constant 0 : i32
    %dma_start3A_738 = arith.constant 0 : i32
    %dma_start3A_739 = tpu.memref_slice %dma_start3A_736[%dma_start3A_731, %dma_start3A_737, %dma_start3A_738] : memref<2x64x64xf32, #tpu.memory_space<vmem>> -> memref<1x64x64xf32, #tpu.memory_space<vmem>>
    %dma_start3A_740 = tpu.memref_squeeze %dma_start3A_739 : memref<1x64x64xf32, #tpu.memory_space<vmem>> -> memref<64x64xf32, #tpu.memory_space<vmem>>
    %dma_start3A_741 = arith.constant 0 : i32
    %dma_start3A_742 = tpu.memref_slice %arg4[%multiple_of3A_699, %dma_start3A_741] : memref<163840x128xf32, #tpu.memory_space<hbm>> -> memref<64x128xf32, #tpu.memory_space<hbm>>
    %dma_start3A_743 = arith.constant 0 : i32
    %dma_start3A_744 = arith.constant 64 : i32
    %dma_start3A_745 = tpu.memref_slice %dma_start3A_742[%dma_start3A_743, %dma_start3A_744] : memref<64x128xf32, #tpu.memory_space<hbm>> -> memref<64x64xf32, #tpu.memory_space<hbm>>
    %dma_start3A_746 = arith.constant 0 : i32
    %dma_start3A_747 = tpu.memref_slice %arg4[%multiple_of3A_699, %dma_start3A_746] : memref<163840x128xf32, #tpu.memory_space<hbm>> -> memref<64x128xf32, #tpu.memory_space<hbm>>
    %dma_start3A_748 = arith.constant 0 : i32
    %dma_start3A_749 = arith.constant 64 : i32
    %dma_start3A_750 = tpu.memref_slice %dma_start3A_747[%dma_start3A_748, %dma_start3A_749] : memref<64x128xf32, #tpu.memory_space<hbm>> -> memref<64x64xf32, #tpu.memory_space<hbm>>
    %dma_start3A_751 = arith.constant 0 : i32
    %dma_start3A_752 = arith.constant 0 : i32
    %dma_start3A_753 = arith.constant 0 : i32
    %dma_start3A_754 = tpu.memref_slice %arg7[%dma_start3A_730, %dma_start3A_751, %dma_start3A_752, %dma_start3A_753] : memref<4x2x64x64xf32, #tpu.memory_space<vmem>> -> memref<1x2x64x64xf32, #tpu.memory_space<vmem>>
    %dma_start3A_755 = tpu.memref_squeeze %dma_start3A_754 : memref<1x2x64x64xf32, #tpu.memory_space<vmem>> -> memref<2x64x64xf32, #tpu.memory_space<vmem>>
    %dma_start3A_756 = arith.constant 0 : i32
    %dma_start3A_757 = arith.constant 0 : i32
    %dma_start3A_758 = tpu.memref_slice %dma_start3A_755[%dma_start3A_731, %dma_start3A_756, %dma_start3A_757] : memref<2x64x64xf32, #tpu.memory_space<vmem>> -> memref<1x64x64xf32, #tpu.memory_space<vmem>>
    %dma_start3A_759 = tpu.memref_squeeze %dma_start3A_758 : memref<1x64x64xf32, #tpu.memory_space<vmem>> -> memref<64x64xf32, #tpu.memory_space<vmem>>
    tpu.enqueue_dma source(%dma_start3A_759 : memref<64x64xf32, #tpu.memory_space<vmem>>) target(%dma_start3A_750 : memref<64x64xf32, #tpu.memory_space<hbm>>) target_semaphore(%arg9 : memref<!tpu.dma_semaphore, #tpu.memory_space<semaphore_mem>>)
    %add3A_760 = arith.constant 4992 : i32
    %add3A_761 = arith.addi %mul3A_4, %add3A_760 : i32
    %multiple_of3A_762 = tpu.assume_multiple %add3A_761, 8 : i32
    %dma_wait3A_763 = arith.constant 2 : i32
    %dma_wait3A_764 = arith.constant 0 : i32
    %dma_wait3A_765 = arith.constant 0 : i32
    %dma_wait3A_766 = arith.constant 0 : i32
    %dma_wait3A_767 = arith.constant 0 : i32
    %dma_wait3A_768 = tpu.memref_slice %arg7[%dma_wait3A_763, %dma_wait3A_765, %dma_wait3A_766, %dma_wait3A_767] : memref<4x2x64x64xf32, #tpu.memory_space<vmem>> -> memref<1x2x64x64xf32, #tpu.memory_space<vmem>>
    %dma_wait3A_769 = tpu.memref_squeeze %dma_wait3A_768 : memref<1x2x64x64xf32, #tpu.memory_space<vmem>> -> memref<2x64x64xf32, #tpu.memory_space<vmem>>
    %dma_wait3A_770 = arith.constant 0 : i32
    %dma_wait3A_771 = arith.constant 0 : i32
    %dma_wait3A_772 = tpu.memref_slice %dma_wait3A_769[%dma_wait3A_764, %dma_wait3A_770, %dma_wait3A_771] : memref<2x64x64xf32, #tpu.memory_space<vmem>> -> memref<1x64x64xf32, #tpu.memory_space<vmem>>
    %dma_wait3A_773 = tpu.memref_squeeze %dma_wait3A_772 : memref<1x64x64xf32, #tpu.memory_space<vmem>> -> memref<64x64xf32, #tpu.memory_space<vmem>>
    %dma_wait3A_774 = arith.constant 0 : i32
    %dma_wait3A_775 = tpu.memref_slice %arg4[%multiple_of3A_762, %dma_wait3A_774] : memref<163840x128xf32, #tpu.memory_space<hbm>> -> memref<64x128xf32, #tpu.memory_space<hbm>>
    %dma_wait3A_776 = arith.constant 0 : i32
    %dma_wait3A_777 = arith.constant 0 : i32
    %dma_wait3A_778 = tpu.memref_slice %dma_wait3A_775[%dma_wait3A_776, %dma_wait3A_777] : memref<64x128xf32, #tpu.memory_space<hbm>> -> memref<64x64xf32, #tpu.memory_space<hbm>>
    %dma_wait3A_779 = arith.constant 0 : i32
    %dma_wait3A_780 = tpu.memref_slice %arg4[%multiple_of3A_762, %dma_wait3A_779] : memref<163840x128xf32, #tpu.memory_space<hbm>> -> memref<64x128xf32, #tpu.memory_space<hbm>>
    %dma_wait3A_781 = arith.constant 0 : i32
    %dma_wait3A_782 = arith.constant 0 : i32
    %dma_wait3A_783 = tpu.memref_slice %dma_wait3A_780[%dma_wait3A_781, %dma_wait3A_782] : memref<64x128xf32, #tpu.memory_space<hbm>> -> memref<64x64xf32, #tpu.memory_space<hbm>>
    %dma_wait3A_784 = arith.constant 0 : i32
    %dma_wait3A_785 = arith.constant 0 : i32
    %dma_wait3A_786 = arith.constant 0 : i32
    %dma_wait3A_787 = tpu.memref_slice %arg7[%dma_wait3A_763, %dma_wait3A_784, %dma_wait3A_785, %dma_wait3A_786] : memref<4x2x64x64xf32, #tpu.memory_space<vmem>> -> memref<1x2x64x64xf32, #tpu.memory_space<vmem>>
    %dma_wait3A_788 = tpu.memref_squeeze %dma_wait3A_787 : memref<1x2x64x64xf32, #tpu.memory_space<vmem>> -> memref<2x64x64xf32, #tpu.memory_space<vmem>>
    %dma_wait3A_789 = arith.constant 0 : i32
    %dma_wait3A_790 = arith.constant 0 : i32
    %dma_wait3A_791 = tpu.memref_slice %dma_wait3A_788[%dma_wait3A_764, %dma_wait3A_789, %dma_wait3A_790] : memref<2x64x64xf32, #tpu.memory_space<vmem>> -> memref<1x64x64xf32, #tpu.memory_space<vmem>>
    %dma_wait3A_792 = tpu.memref_squeeze %dma_wait3A_791 : memref<1x64x64xf32, #tpu.memory_space<vmem>> -> memref<64x64xf32, #tpu.memory_space<vmem>>
    tpu.wait_dma2 semaphore(%arg9 : memref<!tpu.dma_semaphore, #tpu.memory_space<semaphore_mem>>) src(%dma_wait3A_792 : memref<64x64xf32, #tpu.memory_space<vmem>>) dst(%dma_wait3A_783 : memref<64x64xf32, #tpu.memory_space<hbm>>)
    %dma_wait3A_793 = arith.constant 2 : i32
    %dma_wait3A_794 = arith.constant 1 : i32
    %dma_wait3A_795 = arith.constant 0 : i32
    %dma_wait3A_796 = arith.constant 0 : i32
    %dma_wait3A_797 = arith.constant 0 : i32
    %dma_wait3A_798 = tpu.memref_slice %arg7[%dma_wait3A_793, %dma_wait3A_795, %dma_wait3A_796, %dma_wait3A_797] : memref<4x2x64x64xf32, #tpu.memory_space<vmem>> -> memref<1x2x64x64xf32, #tpu.memory_space<vmem>>
    %dma_wait3A_799 = tpu.memref_squeeze %dma_wait3A_798 : memref<1x2x64x64xf32, #tpu.memory_space<vmem>> -> memref<2x64x64xf32, #tpu.memory_space<vmem>>
    %dma_wait3A_800 = arith.constant 0 : i32
    %dma_wait3A_801 = arith.constant 0 : i32
    %dma_wait3A_802 = tpu.memref_slice %dma_wait3A_799[%dma_wait3A_794, %dma_wait3A_800, %dma_wait3A_801] : memref<2x64x64xf32, #tpu.memory_space<vmem>> -> memref<1x64x64xf32, #tpu.memory_space<vmem>>
    %dma_wait3A_803 = tpu.memref_squeeze %dma_wait3A_802 : memref<1x64x64xf32, #tpu.memory_space<vmem>> -> memref<64x64xf32, #tpu.memory_space<vmem>>
    %dma_wait3A_804 = arith.constant 0 : i32
    %dma_wait3A_805 = tpu.memref_slice %arg4[%multiple_of3A_762, %dma_wait3A_804] : memref<163840x128xf32, #tpu.memory_space<hbm>> -> memref<64x128xf32, #tpu.memory_space<hbm>>
    %dma_wait3A_806 = arith.constant 0 : i32
    %dma_wait3A_807 = arith.constant 64 : i32
    %dma_wait3A_808 = tpu.memref_slice %dma_wait3A_805[%dma_wait3A_806, %dma_wait3A_807] : memref<64x128xf32, #tpu.memory_space<hbm>> -> memref<64x64xf32, #tpu.memory_space<hbm>>
    %dma_wait3A_809 = arith.constant 0 : i32
    %dma_wait3A_810 = tpu.memref_slice %arg4[%multiple_of3A_762, %dma_wait3A_809] : memref<163840x128xf32, #tpu.memory_space<hbm>> -> memref<64x128xf32, #tpu.memory_space<hbm>>
    %dma_wait3A_811 = arith.constant 0 : i32
    %dma_wait3A_812 = arith.constant 64 : i32
    %dma_wait3A_813 = tpu.memref_slice %dma_wait3A_810[%dma_wait3A_811, %dma_wait3A_812] : memref<64x128xf32, #tpu.memory_space<hbm>> -> memref<64x64xf32, #tpu.memory_space<hbm>>
    %dma_wait3A_814 = arith.constant 0 : i32
    %dma_wait3A_815 = arith.constant 0 : i32
    %dma_wait3A_816 = arith.constant 0 : i32
    %dma_wait3A_817 = tpu.memref_slice %arg7[%dma_wait3A_793, %dma_wait3A_814, %dma_wait3A_815, %dma_wait3A_816] : memref<4x2x64x64xf32, #tpu.memory_space<vmem>> -> memref<1x2x64x64xf32, #tpu.memory_space<vmem>>
    %dma_wait3A_818 = tpu.memref_squeeze %dma_wait3A_817 : memref<1x2x64x64xf32, #tpu.memory_space<vmem>> -> memref<2x64x64xf32, #tpu.memory_space<vmem>>
    %dma_wait3A_819 = arith.constant 0 : i32
    %dma_wait3A_820 = arith.constant 0 : i32
    %dma_wait3A_821 = tpu.memref_slice %dma_wait3A_818[%dma_wait3A_794, %dma_wait3A_819, %dma_wait3A_820] : memref<2x64x64xf32, #tpu.memory_space<vmem>> -> memref<1x64x64xf32, #tpu.memory_space<vmem>>
    %dma_wait3A_822 = tpu.memref_squeeze %dma_wait3A_821 : memref<1x64x64xf32, #tpu.memory_space<vmem>> -> memref<64x64xf32, #tpu.memory_space<vmem>>
    tpu.wait_dma2 semaphore(%arg9 : memref<!tpu.dma_semaphore, #tpu.memory_space<semaphore_mem>>) src(%dma_wait3A_822 : memref<64x64xf32, #tpu.memory_space<vmem>>) dst(%dma_wait3A_813 : memref<64x64xf32, #tpu.memory_space<hbm>>)
    %add3A_823 = arith.constant 5056 : i32
    %add3A_824 = arith.addi %mul3A_4, %add3A_823 : i32
    %multiple_of3A_825 = tpu.assume_multiple %add3A_824, 8 : i32
    %dma_wait3A_826 = arith.constant 3 : i32
    %dma_wait3A_827 = arith.constant 0 : i32
    %dma_wait3A_828 = arith.constant 0 : i32
    %dma_wait3A_829 = arith.constant 0 : i32
    %dma_wait3A_830 = arith.constant 0 : i32
    %dma_wait3A_831 = tpu.memref_slice %arg7[%dma_wait3A_826, %dma_wait3A_828, %dma_wait3A_829, %dma_wait3A_830] : memref<4x2x64x64xf32, #tpu.memory_space<vmem>> -> memref<1x2x64x64xf32, #tpu.memory_space<vmem>>
    %dma_wait3A_832 = tpu.memref_squeeze %dma_wait3A_831 : memref<1x2x64x64xf32, #tpu.memory_space<vmem>> -> memref<2x64x64xf32, #tpu.memory_space<vmem>>
    %dma_wait3A_833 = arith.constant 0 : i32
    %dma_wait3A_834 = arith.constant 0 : i32
    %dma_wait3A_835 = tpu.memref_slice %dma_wait3A_832[%dma_wait3A_827, %dma_wait3A_833, %dma_wait3A_834] : memref<2x64x64xf32, #tpu.memory_space<vmem>> -> memref<1x64x64xf32, #tpu.memory_space<vmem>>
    %dma_wait3A_836 = tpu.memref_squeeze %dma_wait3A_835 : memref<1x64x64xf32, #tpu.memory_space<vmem>> -> memref<64x64xf32, #tpu.memory_space<vmem>>
    %dma_wait3A_837 = arith.constant 0 : i32
    %dma_wait3A_838 = tpu.memref_slice %arg4[%multiple_of3A_825, %dma_wait3A_837] : memref<163840x128xf32, #tpu.memory_space<hbm>> -> memref<64x128xf32, #tpu.memory_space<hbm>>
    %dma_wait3A_839 = arith.constant 0 : i32
    %dma_wait3A_840 = arith.constant 0 : i32
    %dma_wait3A_841 = tpu.memref_slice %dma_wait3A_838[%dma_wait3A_839, %dma_wait3A_840] : memref<64x128xf32, #tpu.memory_space<hbm>> -> memref<64x64xf32, #tpu.memory_space<hbm>>
    %dma_wait3A_842 = arith.constant 0 : i32
    %dma_wait3A_843 = tpu.memref_slice %arg4[%multiple_of3A_825, %dma_wait3A_842] : memref<163840x128xf32, #tpu.memory_space<hbm>> -> memref<64x128xf32, #tpu.memory_space<hbm>>
    %dma_wait3A_844 = arith.constant 0 : i32
    %dma_wait3A_845 = arith.constant 0 : i32
    %dma_wait3A_846 = tpu.memref_slice %dma_wait3A_843[%dma_wait3A_844, %dma_wait3A_845] : memref<64x128xf32, #tpu.memory_space<hbm>> -> memref<64x64xf32, #tpu.memory_space<hbm>>
    %dma_wait3A_847 = arith.constant 0 : i32
    %dma_wait3A_848 = arith.constant 0 : i32
    %dma_wait3A_849 = arith.constant 0 : i32
    %dma_wait3A_850 = tpu.memref_slice %arg7[%dma_wait3A_826, %dma_wait3A_847, %dma_wait3A_848, %dma_wait3A_849] : memref<4x2x64x64xf32, #tpu.memory_space<vmem>> -> memref<1x2x64x64xf32, #tpu.memory_space<vmem>>
    %dma_wait3A_851 = tpu.memref_squeeze %dma_wait3A_850 : memref<1x2x64x64xf32, #tpu.memory_space<vmem>> -> memref<2x64x64xf32, #tpu.memory_space<vmem>>
    %dma_wait3A_852 = arith.constant 0 : i32
    %dma_wait3A_853 = arith.constant 0 : i32
    %dma_wait3A_854 = tpu.memref_slice %dma_wait3A_851[%dma_wait3A_827, %dma_wait3A_852, %dma_wait3A_853] : memref<2x64x64xf32, #tpu.memory_space<vmem>> -> memref<1x64x64xf32, #tpu.memory_space<vmem>>
    %dma_wait3A_855 = tpu.memref_squeeze %dma_wait3A_854 : memref<1x64x64xf32, #tpu.memory_space<vmem>> -> memref<64x64xf32, #tpu.memory_space<vmem>>
    tpu.wait_dma2 semaphore(%arg9 : memref<!tpu.dma_semaphore, #tpu.memory_space<semaphore_mem>>) src(%dma_wait3A_855 : memref<64x64xf32, #tpu.memory_space<vmem>>) dst(%dma_wait3A_846 : memref<64x64xf32, #tpu.memory_space<hbm>>)
    %dma_wait3A_856 = arith.constant 3 : i32
    %dma_wait3A_857 = arith.constant 1 : i32
    %dma_wait3A_858 = arith.constant 0 : i32
    %dma_wait3A_859 = arith.constant 0 : i32
    %dma_wait3A_860 = arith.constant 0 : i32
    %dma_wait3A_861 = tpu.memref_slice %arg7[%dma_wait3A_856, %dma_wait3A_858, %dma_wait3A_859, %dma_wait3A_860] : memref<4x2x64x64xf32, #tpu.memory_space<vmem>> -> memref<1x2x64x64xf32, #tpu.memory_space<vmem>>
    %dma_wait3A_862 = tpu.memref_squeeze %dma_wait3A_861 : memref<1x2x64x64xf32, #tpu.memory_space<vmem>> -> memref<2x64x64xf32, #tpu.memory_space<vmem>>
    %dma_wait3A_863 = arith.constant 0 : i32
    %dma_wait3A_864 = arith.constant 0 : i32
    %dma_wait3A_865 = tpu.memref_slice %dma_wait3A_862[%dma_wait3A_857, %dma_wait3A_863, %dma_wait3A_864] : memref<2x64x64xf32, #tpu.memory_space<vmem>> -> memref<1x64x64xf32, #tpu.memory_space<vmem>>
    %dma_wait3A_866 = tpu.memref_squeeze %dma_wait3A_865 : memref<1x64x64xf32, #tpu.memory_space<vmem>> -> memref<64x64xf32, #tpu.memory_space<vmem>>
    %dma_wait3A_867 = arith.constant 0 : i32
    %dma_wait3A_868 = tpu.memref_slice %arg4[%multiple_of3A_825, %dma_wait3A_867] : memref<163840x128xf32, #tpu.memory_space<hbm>> -> memref<64x128xf32, #tpu.memory_space<hbm>>
    %dma_wait3A_869 = arith.constant 0 : i32
    %dma_wait3A_870 = arith.constant 64 : i32
    %dma_wait3A_871 = tpu.memref_slice %dma_wait3A_868[%dma_wait3A_869, %dma_wait3A_870] : memref<64x128xf32, #tpu.memory_space<hbm>> -> memref<64x64xf32, #tpu.memory_space<hbm>>
    %dma_wait3A_872 = arith.constant 0 : i32
    %dma_wait3A_873 = tpu.memref_slice %arg4[%multiple_of3A_825, %dma_wait3A_872] : memref<163840x128xf32, #tpu.memory_space<hbm>> -> memref<64x128xf32, #tpu.memory_space<hbm>>
    %dma_wait3A_874 = arith.constant 0 : i32
    %dma_wait3A_875 = arith.constant 64 : i32
    %dma_wait3A_876 = tpu.memref_slice %dma_wait3A_873[%dma_wait3A_874, %dma_wait3A_875] : memref<64x128xf32, #tpu.memory_space<hbm>> -> memref<64x64xf32, #tpu.memory_space<hbm>>
    %dma_wait3A_877 = arith.constant 0 : i32
    %dma_wait3A_878 = arith.constant 0 : i32
    %dma_wait3A_879 = arith.constant 0 : i32
    %dma_wait3A_880 = tpu.memref_slice %arg7[%dma_wait3A_856, %dma_wait3A_877, %dma_wait3A_878, %dma_wait3A_879] : memref<4x2x64x64xf32, #tpu.memory_space<vmem>> -> memref<1x2x64x64xf32, #tpu.memory_space<vmem>>
    %dma_wait3A_881 = tpu.memref_squeeze %dma_wait3A_880 : memref<1x2x64x64xf32, #tpu.memory_space<vmem>> -> memref<2x64x64xf32, #tpu.memory_space<vmem>>
    %dma_wait3A_882 = arith.constant 0 : i32
    %dma_wait3A_883 = arith.constant 0 : i32
    %dma_wait3A_884 = tpu.memref_slice %dma_wait3A_881[%dma_wait3A_857, %dma_wait3A_882, %dma_wait3A_883] : memref<2x64x64xf32, #tpu.memory_space<vmem>> -> memref<1x64x64xf32, #tpu.memory_space<vmem>>
    %dma_wait3A_885 = tpu.memref_squeeze %dma_wait3A_884 : memref<1x64x64xf32, #tpu.memory_space<vmem>> -> memref<64x64xf32, #tpu.memory_space<vmem>>
    tpu.wait_dma2 semaphore(%arg9 : memref<!tpu.dma_semaphore, #tpu.memory_space<semaphore_mem>>) src(%dma_wait3A_885 : memref<64x64xf32, #tpu.memory_space<vmem>>) dst(%dma_wait3A_876 : memref<64x64xf32, #tpu.memory_space<hbm>>)
    return
  }
}

</mosaic_0001>

<sc_bundles>
// kernel: kernel.3.cloned.1.call-start
scs
__scs_entry_jumppad:
0x0: {  	(pc) =	sbr.rel $0x88, $3  }
0x1: {  	(tag) =	ssettag $0x0;
	lr =	simm.s32 $0x1  }
0x2: {  	[smem:$0x3F9F] =	sst lr;
	_ =	strace $0xD0000000  }
0x3: {  	_ = 	snop  }
0x4: {  	_ = 	snop  }
0x5: {  	_ = 	snop  }
0x6: {  	_ = 	snop  }
0x7: {  	_ = 	snop  }
__scs_overlays_trampoline_lowered:
0x8: {  	[smem:$0x3FAE] =	sst s0  }
0x9: {  	[smem:$0x3FAF] =	sst s1  }
0xa: {  	[smem:$0x3FB0] =	sst s2  }
0xb: {  	[smem:$0x3FB1] =	sst s3  }
0xc: {  	[smem:$0x3FB2] =	sst s4  }
0xd: {  	[smem:$0x3FB3] =	sst s5  }
0xe: {  	[smem:$0x3FB4] =	sst s6  }
0xf: {  	[smem:$0x3FB5] =	sst s7  }
0x10: {  	[smem:$0x3FB6] =	sst s8  }
0x11: {  	[smem:$0x3FB7] =	sst s9;
	s0 =	simm.s32 @!p0 $0x0  }
0x12: {  	s1 =	sld [smem:$0x3F9D];
	s0 =	simm.s32 @p0 $0x1  }
0x13: {  	[smem:$0x3FB8] =	sst s0;
	s0 =	simm.s32 @!p1 $0x0  }
0x14: {  	s2 =	sld [smem:$0x3F9C];
	s0 =	simm.s32 @p1 $0x1  }
0x15: {  	[smem:$0x3FB9] =	sst s0;
	s0 =	simm.s32 @!p2 $0x0  }
0x16: {  	s3 =	sld [smem:$0x3FDB];
	s0 =	simm.s32 @p2 $0x1  }
0x17: {  	s4 =	simm.s32 $0x1BF5;
	[smem:$0x3FBB] =	sst s0  }
0x18: {  	s0 =	sld [smem:$0x3F9E];
	_ =	swait.ge [sflag:s4], $0x0  }
0x19: {  	s7 =	sld [smem:$0x3F9F]  }
0x1a: {  	s8 =	sadd.s32 $0xFFFFE003, lr  }
0x1b: {  	s9 =	sadd.s32 $0xFFFFFEF7, lr;
	s5 =	simm.s32 $0xFFFFFFFF;
	p2 =	slt.u32 s8, $0xFFFFF086  }
0x1c: {  	p1 =	slt.u32 s9, $0xF7A;
	s5 =	simm.s32 @!p2 $0x0  }
0x1d: {  	s5 =	simm.s32 @p1 $0x1;
	p0 =	seq.s32 s7, s2  }
0x1e: {  	s7 =	smul.u32 @!p0 $0xF7A, s2;
	p2 =	seq.s32 @!p0 s5, $0x0  }
0x1f: {  	s9 =	smul.u32 $0xF7A, s1;
	s8 =	simm.s32 @!p0 $0x1BF5;
	p2 =	por !p2, p0  }
0x20: {  	[sflag:s8] =	ssyncset.s32 @!p0 $0xFFFFF086;
	s6 =	sadd.s32 @!p0 s3, s7;
	s7 =	simm.s32 @!p0 $0x108  }
0x21: {  	s3 =	sadd.s32 s3, s9;
	s6 =	sadd.s32 @!p0 $0x88, s6;
	s7 =	simm.s32 @p2 $0x1082  }
0x22: {  	[simem:s7], [sflag:s8] =	dma.local @!p0 [hbm:s6], $0xF7A  }
0x23: {  	s9 =	sor.u32 $0xD0000000, s2;
	s6 =	simm.s32 $0x108;
	_ =	swait.ge @!p0 [sflag:s8], $0x0  }
0x24: {  	s3 =	sadd.s32 $0x88, s3;
	s6 =	simm.s32 @!p1 $0x1082;
	[sflag:s4] =	ssyncset.s32 $0xFFFFF086  }
0x25: {  	[simem:s6], [sflag:s4] =	dma.local [hbm:s3], $0xF7A  }
0x26: {  	[smem:$0x3F9F] =	sst s1;
	(tag) =	ssettag s2;
	_ =	strace s9  }
0x27: {  	s1 =	sld [smem:$0x3FAF]  }
0x28: {  	s2 =	sld [smem:$0x3FB0]  }
0x29: {  	s4 =	sld [smem:$0x3FB2]  }
0x2a: {  	p0 =	seq.s32 s5, $0x0;
	s5 =	sld [smem:$0x3FB3]  }
0x2b: {  	s6 =	sld [smem:$0x3FB4]  }
0x2c: {  	s7 =	sld [smem:$0x3FB5]  }
0x2d: {  	s3 =	simm.s32 $0x108;
	s8 =	sld [smem:$0x3FB6]  }
0x2e: {  	s3 =	simm.s32 @!p0 $0x1082;
	s9 =	sld [smem:$0x3FB7]  }
0x2f: {  	lr =	sadd.s32 s0, s3;
	s0 =	sld [smem:$0x3FAE]  }
0x30: {  	s3 =	sld [smem:$0x3FB1]  }
0x31: {  	[smem:$0x3FBA] =	sst s10  }
0x32: {  	s10 =	sld [smem:$0x3FB8];
	_ =	sdelay $0x3  }
0x33: {  	p0 =	seq.s32 s10, $0x1;
	s10 =	sld [smem:$0x3FBA];
	_ =	sdelay $0x3  }
0x34: {  	[smem:$0x3FBA] =	sst s10  }
0x35: {  	s10 =	sld [smem:$0x3FB9];
	_ =	sdelay $0x3  }
0x36: {  	p1 =	seq.s32 s10, $0x1;
	s10 =	sld [smem:$0x3FBA];
	_ =	sdelay $0x3  }
0x37: {  	[smem:$0x3FBA] =	sst s10  }
0x38: {  	s10 =	sld [smem:$0x3FBB]  }
0x39: {  	_ = 	snop;
	(pc) =	sbr.ind lr, $3  }
0x3a: {  	_ = 	snop  }
0x3b: {  	_ = 	snop  }
0x3c: {  	p2 =	seq.s32 s10, $0x1;
	s10 =	sld [smem:$0x3FBA]  }
0x3d: {  	_ =	shalt  }
0x3e: {  	_ =	shalt  }
0x3f: {  	_ =	shalt  }
0x40: {  	_ =	shalt  }
0x41: {  	_ =	shalt  }
0x42: {  	_ =	shalt  }
0x43: {  	_ =	shalt  }
0x44: {  	_ =	shalt  }
0x45: {  	_ =	shalt  }
0x46: {  	_ =	shalt  }
0x47: {  	_ =	shalt  }
0x48: {  	_ =	shalt  }
0x49: {  	_ =	shalt  }
0x4a: {  	_ =	shalt  }
0x4b: {  	_ =	shalt  }
0x4c: {  	_ =	shalt  }
0x4d: {  	_ =	shalt  }
0x4e: {  	_ =	shalt  }
0x4f: {  	_ =	shalt  }
0x50: {  	_ =	shalt  }
0x51: {  	_ =	shalt  }
0x52: {  	_ =	shalt  }
0x53: {  	_ =	shalt  }
0x54: {  	_ =	shalt  }
0x55: {  	_ =	shalt  }
0x56: {  	_ =	shalt  }
0x57: {  	_ =	shalt  }
0x58: {  	_ =	shalt  }
0x59: {  	_ =	shalt  }
0x5a: {  	_ =	shalt  }
0x5b: {  	_ =	shalt  }
0x5c: {  	_ =	shalt  }
0x5d: {  	_ =	shalt  }
0x5e: {  	_ =	shalt  }
0x5f: {  	_ =	shalt  }
0x60: {  	_ =	shalt  }
0x61: {  	_ =	shalt  }
0x62: {  	_ =	shalt  }
0x63: {  	_ =	shalt  }
0x64: {  	_ =	shalt  }
0x65: {  	_ =	shalt  }
0x66: {  	_ =	shalt  }
0x67: {  	_ =	shalt  }
0x68: {  	_ =	shalt  }
0x69: {  	_ =	shalt  }
0x6a: {  	_ =	shalt  }
0x6b: {  	_ =	shalt  }
0x6c: {  	_ =	shalt  }
0x6d: {  	_ =	shalt  }
0x6e: {  	_ =	shalt  }
0x6f: {  	_ =	shalt  }
0x70: {  	_ =	shalt  }
0x71: {  	_ =	shalt  }
0x72: {  	_ =	shalt  }
0x73: {  	_ =	shalt  }
0x74: {  	_ =	shalt  }
0x75: {  	_ =	shalt  }
0x76: {  	_ =	shalt  }
0x77: {  	_ =	shalt  }
0x78: {  	_ =	shalt  }
0x79: {  	_ =	shalt  }
0x7a: {  	_ =	shalt  }
0x7b: {  	_ =	shalt  }
0x7c: {  	_ =	shalt  }
0x7d: {  	_ =	shalt  }
0x7e: {  	_ =	shalt  }
0x7f: {  	_ =	shalt  }
0x80: {  	_ =	shalt  }
0x81: {  	_ =	shalt  }
0x82: {  	_ =	shalt  }
0x83: {  	_ =	shalt  }
0x84: {  	_ =	shalt  }
0x85: {  	_ =	shalt  }
0x86: {  	_ =	shalt  }
0x87: {  	_ =	shalt  }
.Lfunc_end0:
.L_simem_size_0:
called_computation.1_lowered:
.L_overlay_start_0:
0x88: {  	s2 =	sld [smem:$0x3FD9]  }
0x89: {  	s3 =	sld [smem:$0x3FFE];
	_ =	sdelay $0x1  }
0x8a: {  	s1 =	srdreg.scid  }
0x8b: {  	s0 =	sand.u32 $0x1, s1  }
0x8c: {  	s17 =	sshll.u32 s0, $0xA;
	s2 =	sadd.s32 s3, s2  }
0x8d: {  	s2 =	sadd.s32 s2, s17  }
0x8e: {  	[smem:$0x3FC6] =	sst s2  }
0x8f: {  	_ = 	snop  }
0x90: {  	s2 =	sld [smem:$0x3FD0];
	(tm) =	ssettm $0x1  }
0x91: {  	s18 =	sld [smem:$0x3FFB];
	_ =	sdelay $0x3  }
0x92: {  	_ =	strace s18  }
0x93: {  	s3 =	sld [smem:$0x3FFC];
	_ =	sdelay $0x3  }
0x94: {  	_ =	strace s3  }
0x95: {  	s3 =	sld [smem:$0x3FFD];
	_ =	sdelay $0x3  }
0x96: {  	_ =	strace s3  }
0x97: {  	_ =	strace $0x8FFFFFFF  }
0x98: {  	s19 =	sld [smem:$0x3FDB];
	_ =	sdelay $0x1  }
0x99: {  	s4 =	simm.s32 $_scs_section_size  }
0x9a: {  	s5 =	simm.s32 $_size__tile_overlayer_lowered;
	s6 =	simm.s32 $_tile_overlayer_lowered  }
0x9b: {  	s22 =	simm.s32 $0x1BFF;
	s21 =	sshll.u32 s6, $0x1;
	s3 =	sadd.s32 s4, s19  }
0x9c: {  	s7 =	simm.s32 $0x0;
	s20 =	sshll.u32 s5, $0x1;
	s5 =	sadd.s32 s21, s3  }
0x9d: {  	[timem:s7], [sflag:s22] =	dma.local [hbm:s5], s20  }
0x9e: {  	_ =	swait.ge [sflag:s22], s20  }
0x9f: {  	s4 =	ssub.s32 $0x0, s20;
	[sflag:s22] =	ssyncset.done $0x0  }
0xa0: {  	[sflag:s22] =	ssyncadd.s32 s4;
	_ =	sdelay $0x1  }
0xa1: {  	s23 =	simm.s32 $0x1B8B  }
0xa2: {  	_ =	swait.ge [sflag:s23], $0x1  }
0xa3: {  	[sflag:s23] =	ssyncset.done $0x0  }
0xa4: {  	s25 =	simm.s32 $0x1B8E;
	s24 =	sld [smem:$0x3FFE];
	[sflag:s23] =	ssyncadd.s32 $0xFFFFFFFF  }
0xa5: {  	s26 =	simm.s32 $execute0_lowered;
	[smem:$0x3FD2] =	sst s25  }
0xa6: {  	s5 =	sshll.u32 s26, $0x1;
	_ =	strace $0x80000046;
	[dreg:$0x1] =	wrdreg $0xFFFFFFFF  }
0xa7: {  	s28 =	simm.s32 $_size_execute0_lowered;
	s3 =	sadd.s32 s3, s5;
	[dreg:$0x0] =	wrdreg $0x0  }
0xa8: {  	s5 =	sshll.u32 s28, $0x1;
	[dreg:$0x2] =	wrdreg s3  }
0xa9: {  	[dreg:$0x3] =	wrdreg s5  }
0xaa: {  	[dreg:$0x4] =	wrdreg $0xC0  }
0xab: {  	_ =	task [dreg:s7], $0x5FFFF  }
0xac: {  	[dreg:$0x1] =	wrdreg $0xFFFFFFFF  }
0xad: {  	[dreg:$0x0] =	wrdreg $0x60  }
0xae: {  	[dreg:$0x2] =	wrdreg s24  }
0xaf: {  	[dreg:$0x3] =	wrdreg s2  }
0xb0: {  	[dreg:$0x4] =	wrdreg $0x9  }
0xb1: {  	_ =	task.clear_ibuf [dreg:s7], $0x5FFFF;
	_ =	strace $0x90000046  }
0xb2: {  	s29 =	simm.s32 $0x9;
	_ =	strace $0x80000048  }
0xb3: {  	_ =	swait.ge [sflag:s29], $0x1  }
0xb4: {  	[sflag:s29] =	ssyncadd.s32 $0xFFFFFFFF  }
0xb5: {  	_ =	strace $0x90000048  }
0xb6: {  	_ =	sfence  }
0xb7: {  	s30 =	sld [smem:$0x0];
	_ =	sdelay $0x2  }
0xb8: {  	s31 =	sshll.u32 s1, $0xD;
	s1 =	sshrl.u32 s1, $0x2  }
0xb9: {  	s3 =	sand.u32 $0x4000, s31;
	s1 =	sadd.s32 s1, s30  }
0xba: {  	s0 =	sor.u32 s3, s0;
	s1 =	sshll.u32 s1, $0x11  }
0xbb: {  	s0 =	sor.u32 s1, s0  }
0xbc: {  	s0 =	sadd.s32 $0x8F2B, s0  }
0xbd: {  	[sflag:s0] =	ssyncadd.remote.s32 $0x1  }
0xbe: {  	_ =	sfence.sel $0xFFFF  }
0xbf: {  	[dreg:$0x0] =	wrdreg $0xFFFFFFFF;
	(pc) =	sbr.abs _section_cstart, $3  }
0xc0: {  	[dreg:$0x1] =	wrdreg $0xFFFFFFFF  }
0xc1: {  	_ =	task.clear_ibuf [dreg:s7], $0x2FFFF;
	_ =	strace $0x9FFFFFFF  }
0xc2: {  	(tm) =	ssettm $0x7FFFFFFF  }
0xc3: {  	_ =	shalt  }
tec
execute0_lowered:
.L_overlay_start_1:
0x0: {  	(tag) =	ssettag $0x1  }
0x1: {  	s0 =	rddreg [dreg:$0x0]  }
0x2: {  	s1 =	srdreg.scid;
	s8 =	stileid.u32  }
0x3: {  	s2 =	rddreg [dreg:$0x1];
	s5 =	simm.s32 $0x0;
	s11 =	simm.s32 $0x3  }
0x4: {  	s12 =	simm.s32 $0x40;
	s14 =	simm.s32 $0x5000;
	s16 =	simm.s32 $0x6000  }
0x5: {  	s18 =	simm.s32 $0x7000;
	s20 =	simm.s32 $0x8000;
	s22 =	simm.s32 $0x9000  }
0x6: {  	s28 =	simm.s32 $0x2980;
	s29 =	simm.s32 $0xB000;
	s30 =	simm.s32 $0x29C0  }
0x7: {  	s1 =	sand.u32 $0x1, s1;
	s3 =	sshll.u32 s8, $0x1;
	s8 =	smul.u32 $0x140000, s8  }
0x8: {  	s4 =	sor.u32 s1, s3;
	s7 =	ssub.s32 $0x2, s1;
	s1 =	smul.u32 $0xA0000, s1  }
0x9: {  	s31 =	simm.s32 $0xC000;
	[smem:$0x7FF] =	sst s5;
	s3 =	smul.u32 $0x500, s4  }
0xa: {  	_ =	strace $0x80000047;
	s24 =	smul.u32 $0xA0000, s4;
	s25 =	sshrl.u32 s7, $0x1  }
0xb: {  	s26 =	smul.u32 $0x14000, s4;
	s1 =	sadd.s32 s1, s8;
	s6 =	sadd.s32 s3, s0  }
0xc: {  	v0 =	vlaneseq.u32;
	s3 =	sadd.s32 $0xF42E00, s0;
	s0 =	ssub.s32 s7, s25;
	s5 =	sshrl.u32 s24, $0x3  }
0xd: {  	v1 =	vmul.u32 $0x2, v0;
	s1 =	sor.u32 $0x2000, s1;
	s24 =	simm.s32 $0xA000;
	s25 =	simm.s32 $0x1  }
0xe: {  	v11 =	vor.u32 $0x30, v0;
	s4 =	sadd.s32 $0xA00, s6;
	s9 =	sadd.s32 s2, s5;
	s5 =	sadd.s32 s2, s26  }
0xf: {  	v5 =	vor.u32 $0x10, v0;
	v8 =	vor.u32 $0x20, v0;
	v2 =	vor.u32 $0x1, v1;
	s1 =	sshrl.u32 s1, $0x3;
	s26 =	simm.s32 $0x80;
	s6 =	sadd.s32 $0x13400, s9  }
0x10: {  	v3 =	vor.u32 $0x20, v1;
	v4 =	vor.u32 $0x21, v1;
	v6 =	vor.u32 $0x40, v1;
	s7 =	sadd.s32 $0x13800, s9;
	s8 =	sadd.s32 $0x13C00, s9;
	s9 =	smax.u32 s0, $0x1  }
0x11: {  	v7 =	vor.u32 $0x41, v1;
	v9 =	vor.u32 $0x60, v1;
	v10 =	vor.u32 $0x61, v1;
	s10 =	sadd.s32 s1, s2;
	s1 =	simm.s32 $0x2;
	s0 =	simm.s32 $0x0  }
.LBB2_1:
0x12: {  	s2 =	simm.s32 $0x0  }
0x13: {  	[tilespmem:s2], [sflag:$0x3] =	stream.linear.gather [hbm4b:s4+s2], $0x2800, $0x38;
	[tilespmem:$0xD000] =	vst v63  }
0x14: {  	_ =	swait.ge [sflag:s11], $0x2800  }
0x15: {  	[sflag:s11] =	ssyncset.done $0x0  }
0x16: {  	s2 =	simm.s32 $0x0;
	[sflag:s11] =	ssyncadd.s32 $0xFFFFD800  }
0x17: {  	v12 =	vld.idx.msk [tilespmem:v1+s2+$0x0], $0xffff  }
0x18: {  	v13 =	vld.idx.msk [tilespmem:v2+s2+$0x0], $0xffff;
	_ =	sdelay $0x3  }
0x19: {  	[tilespmem:v0+s2+$0x2800] =	vst.idx.msk $0xffff, v12  }
0x1a: {  	[tilespmem:v0+s2+$0x2840] =	vst.idx.msk $0xffff, v13  }
0x1b: {  	v12 =	vld.idx.msk [tilespmem:v3+s2+$0x0], $0xffff  }
0x1c: {  	v13 =	vld.idx.msk [tilespmem:v4+s2+$0x0], $0xffff;
	_ =	sdelay $0x3  }
0x1d: {  	[tilespmem:v5+s2+$0x2800] =	vst.idx.msk $0xffff, v12  }
0x1e: {  	[tilespmem:v5+s2+$0x2840] =	vst.idx.msk $0xffff, v13  }
0x1f: {  	v12 =	vld.idx.msk [tilespmem:v6+s2+$0x0], $0xffff  }
0x20: {  	v13 =	vld.idx.msk [tilespmem:v7+s2+$0x0], $0xffff;
	_ =	sdelay $0x3  }
0x21: {  	[tilespmem:v8+s2+$0x2800] =	vst.idx.msk $0xffff, v12  }
0x22: {  	[tilespmem:v8+s2+$0x2840] =	vst.idx.msk $0xffff, v13  }
0x23: {  	v13 =	vld.idx.msk [tilespmem:v9+s2+$0x0], $0xffff;
	_ =	sdelay $0x1  }
0x24: {  	v12 =	vld.idx.msk [tilespmem:v10+s2+$0x0], $0xffff;
	_ =	sdelay $0x2  }
0x25: {  	s13 =	simm.s32 $0x200;
	s15 =	simm.s32 $0x400;
	[tilespmem:v11+s2+$0x2800] =	vst.idx.msk $0xffff, v13  }
.LBB2_2:
0x26: {  	p0 =	sne.s32 s15, $0x9E00  }
0x27: {  	[tilespmem:v11+s2+$0x2840] =	vst.idx.msk $0xffff, v12;
	s2 =	sshra.s32 s13, $0x2;
	s13 =	smov.u32 s15;
	s15 =	sadd.s32 $0x200, s15  }
0x28: {  	v12 =	vld.idx.msk [tilespmem:v1+s2+$0x0], $0xffff  }
0x29: {  	v13 =	vld.idx.msk [tilespmem:v2+s2+$0x0], $0xffff;
	_ =	sdelay $0x4  }
0x2a: {  	[tilespmem:v0+s2+$0x2800] =	vst.idx.msk $0xffff, v12  }
0x2b: {  	[tilespmem:v0+s2+$0x2840] =	vst.idx.msk $0xffff, v13  }
0x2c: {  	v12 =	vld.idx.msk [tilespmem:v3+s2+$0x0], $0xffff  }
0x2d: {  	v13 =	vld.idx.msk [tilespmem:v4+s2+$0x0], $0xffff;
	_ =	sdelay $0x4  }
0x2e: {  	[tilespmem:v5+s2+$0x2800] =	vst.idx.msk $0xffff, v12  }
0x2f: {  	[tilespmem:v5+s2+$0x2840] =	vst.idx.msk $0xffff, v13  }
0x30: {  	v12 =	vld.idx.msk [tilespmem:v6+s2+$0x0], $0xffff  }
0x31: {  	v13 =	vld.idx.msk [tilespmem:v7+s2+$0x0], $0xffff;
	_ =	sdelay $0x4  }
0x32: {  	[tilespmem:v8+s2+$0x2800] =	vst.idx.msk $0xffff, v12  }
0x33: {  	[tilespmem:v8+s2+$0x2840] =	vst.idx.msk $0xffff, v13  }
0x34: {  	v13 =	vld.idx.msk [tilespmem:v9+s2+$0x0], $0xffff  }
0x35: {  	v12 =	vld.idx.msk [tilespmem:v10+s2+$0x0], $0xffff  }
.Ltmp0:
0x36: {  	(pc) =	sbr.rel @p0 .LBB2_2-.Ltmp0, $2  }
0x37: {  	_ =	sdelay $0x2  }
0x38: {  	[tilespmem:v11+s2+$0x2800] =	vst.idx.msk $0xffff, v13  }
0x39: {  	_ =	sdelay $0x3  }
0x3a: {  	s13 =	sshra.s32 s13, $0x2;
	[tilespmem:v11+s2+$0x2840] =	vst.idx.msk $0xffff, v12  }
0x3b: {  	v12 =	vld.idx.msk [tilespmem:v1+s13+$0x0], $0xffff  }
0x3c: {  	v13 =	vld.idx.msk [tilespmem:v2+s13+$0x0], $0xffff;
	_ =	sdelay $0x3  }
0x3d: {  	[tilespmem:v0+s13+$0x2800] =	vst.idx.msk $0xffff, v12  }
0x3e: {  	[tilespmem:v0+s13+$0x2840] =	vst.idx.msk $0xffff, v13  }
0x3f: {  	v12 =	vld.idx.msk [tilespmem:v3+s13+$0x0], $0xffff  }
0x40: {  	v13 =	vld.idx.msk [tilespmem:v4+s13+$0x0], $0xffff;
	_ =	sdelay $0x3  }
0x41: {  	[tilespmem:v5+s13+$0x2800] =	vst.idx.msk $0xffff, v12  }
0x42: {  	[tilespmem:v5+s13+$0x2840] =	vst.idx.msk $0xffff, v13  }
0x43: {  	v12 =	vld.idx.msk [tilespmem:v6+s13+$0x0], $0xffff  }
0x44: {  	v13 =	vld.idx.msk [tilespmem:v7+s13+$0x0], $0xffff;
	_ =	sdelay $0x3  }
0x45: {  	[tilespmem:v8+s13+$0x2800] =	vst.idx.msk $0xffff, v12  }
0x46: {  	[tilespmem:v8+s13+$0x2840] =	vst.idx.msk $0xffff, v13  }
0x47: {  	v12 =	vld.idx.msk [tilespmem:v9+s13+$0x0], $0xffff  }
0x48: {  	v13 =	vld.idx.msk [tilespmem:v10+s13+$0x0], $0xffff;
	_ =	sdelay $0x3  }
0x49: {  	[tilespmem:v11+s13+$0x2800] =	vst.idx.msk $0xffff, v12  }
0x4a: {  	[tilespmem:v11+s13+$0x2840] =	vst.idx.msk $0xffff, v13;
	s13 =	simm.s32 $0x2800  }
0x4b: {  	[tilespmem:s14], [sflag:$0x1] =	stream.indirect.gather [hbm4b:s3+s12], $0x40, s13, s12, $0xb8;
	[tilespmem:$0xD000] =	vst v63  }
0x4c: {  	s15 =	simm.s32 $0x2840  }
0x4d: {  	[tilespmem:s16], [sflag:$0x1] =	stream.indirect.gather [hbm4b:s3+s12], $0x40, s15, s12, $0xb8;
	[tilespmem:$0xD000] =	vst v63  }
0x4e: {  	s17 =	simm.s32 $0x2880  }
0x4f: {  	[tilespmem:s18], [sflag:$0x1] =	stream.indirect.gather [hbm4b:s3+s12], $0x40, s17, s12, $0xb8;
	[tilespmem:$0xD000] =	vst v63  }
0x50: {  	s19 =	simm.s32 $0x28C0  }
0x51: {  	[tilespmem:s20], [sflag:$0x1] =	stream.indirect.gather [hbm4b:s3+s12], $0x40, s19, s12, $0xb8;
	[tilespmem:$0xD000] =	vst v63  }
0x52: {  	s21 =	simm.s32 $0x2900  }
0x53: {  	[tilespmem:s22], [sflag:$0x1] =	stream.indirect.gather [hbm4b:s3+s12], $0x40, s21, s12, $0xb8;
	[tilespmem:$0xD000] =	vst v63  }
0x54: {  	s23 =	simm.s32 $0x2940  }
0x55: {  	[tilespmem:s24], [sflag:$0x1] =	stream.indirect.gather [hbm4b:s3+s12], $0x40, s23, s12, $0xb8;
	[tilespmem:$0xD000] =	vst v63  }
0x56: {  	_ =	swait.ge [sflag:s25], $0x1000  }
0x57: {  	[sflag:s25] =	ssyncset.done $0x0  }
0x58: {  	[sflag:s25] =	ssyncadd.s32 $0xFFFFF000  }
0x59: {  	_ =	swait.ge [sflag:s25], $0x1000  }
0x5a: {  	[sflag:s25] =	ssyncset.done $0x0  }
0x5b: {  	[sflag:s25] =	ssyncadd.s32 $0xFFFFF000  }
0x5c: {  	[hbm4b:s5+s12] =	stream.strided.scatter [tilespmem:s14], [sflag:$0x2], $0x1000, s26, s12, $0x38;
	[tilespmem:$0xD000] =	vst v63  }
0x5d: {  	s13 =	sadd.s32 $0x8, s5  }
0x5e: {  	[hbm4b:s13+s12] =	stream.strided.scatter [tilespmem:s16], [sflag:$0x2], $0x1000, s26, s12, $0x38;
	[tilespmem:$0xD000] =	vst v63  }
0x5f: {  	_ = 	snop  }
0x60: {  	[tilespmem:s29], [sflag:$0x1] =	stream.indirect.gather [hbm4b:s3+s12], $0x40, s28, s12, $0xb8;
	[tilespmem:$0xD000] =	vst v63  }
0x61: {  	_ = 	snop  }
0x62: {  	[tilespmem:s31], [sflag:$0x1] =	stream.indirect.gather [hbm4b:s3+s12], $0x40, s30, s12, $0xb8;
	[tilespmem:$0xD000] =	vst v63  }
0x63: {  	_ =	swait.ge [sflag:s25], $0x1000  }
0x64: {  	[sflag:s25] =	ssyncset.done $0x0  }
0x65: {  	s15 =	simm.s32 $0x8000;
	[sflag:s25] =	ssyncadd.s32 $0xFFFFF000  }
0x66: {  	s2 =	sand.u32 $0x18000, s15;
	_ =	swait.ge [sflag:s25], $0x1000  }
0x67: {  	s2 =	sshrl.u32 s2, $0x2;
	[sflag:s25] =	ssyncset.done $0x0  }
0x68: {  	s17 =	sadd.s32 $0x5000, s2;
	[sflag:s25] =	ssyncadd.s32 $0xFFFFF000  }
0x69: {  	[hbm4b:s10+s12] =	stream.strided.scatter [tilespmem:s17], [sflag:$0x2], $0x1000, s26, s12, $0x38;
	[tilespmem:$0xD000] =	vst v63  }
0x6a: {  	s2 =	sadd.s32 $0x6000, s2;
	s19 =	sadd.s32 $0x8, s10  }
0x6b: {  	[hbm4b:s19+s12] =	stream.strided.scatter [tilespmem:s2], [sflag:$0x2], $0x1000, s26, s12, $0x38;
	[tilespmem:$0xD000] =	vst v63  }
0x6c: {  	_ =	swait.ge [sflag:s1], $0x1000  }
0x6d: {  	[sflag:s1] =	ssyncset.done $0x0  }
0x6e: {  	s21 =	simm.s32 $0x8000;
	[sflag:s1] =	ssyncadd.s32 $0xFFFFF000  }
0x6f: {  	s15 =	sand.u32 $0x6000, s21;
	_ =	swait.ge [sflag:s1], $0x1000  }
0x70: {  	s23 =	simm.s32 $0x2A00;
	s13 =	simm.s32 $0x28000;
	[sflag:s1] =	ssyncset.done $0x0  }
0x71: {  	s17 =	simm.s32 $0x2AC0;
	s2 =	sadd.s32 $0x5000, s15;
	[sflag:s1] =	ssyncadd.s32 $0xFFFFF000  }
0x72: {  	[tilespmem:s2], [sflag:$0x1] =	stream.indirect.gather [hbm4b:s3+s12], $0x40, s23, s12, $0xb8;
	[tilespmem:$0xD000] =	vst v63  }
0x73: {  	s19 =	sadd.s32 $0x6000, s15;
	s15 =	sadd.s32 $0x400, s10;
	s2 =	simm.s32 $0x2A40  }
.LBB2_4:
0x74: {  	[tilespmem:s19], [sflag:$0x1] =	stream.indirect.gather [hbm4b:s3+s12], $0x40, s2, s12, $0xb8;
	[tilespmem:$0xD000] =	vst v63  }
0x75: {  	s19 =	smov.u32 s13;
	s2 =	smov.u32 s17  }
0x76: {  	p0 =	sne.s32 s13, $0x278000;
	s13 =	sadd.s32 $0x8000, s13;
	_ =	swait.ge [sflag:s25], $0x1000  }
0x77: {  	[sflag:s25] =	ssyncset.done $0x0  }
0x78: {  	s21 =	sadd.s32 $0xFFFE8000, s19;
	[sflag:s25] =	ssyncadd.s32 $0xFFFFF000  }
0x79: {  	s21 =	sand.u32 $0x18000, s21;
	_ =	swait.ge [sflag:s25], $0x1000  }
0x7a: {  	s21 =	sshrl.u32 s21, $0x2;
	[sflag:s25] =	ssyncset.done $0x0  }
0x7b: {  	s23 =	sadd.s32 $0x5000, s21;
	[sflag:s25] =	ssyncadd.s32 $0xFFFFF000  }
0x7c: {  	[hbm4b:s15+s12] =	stream.strided.scatter [tilespmem:s23], [sflag:$0x2], $0x1000, s26, s12, $0x38;
	[tilespmem:$0xD000] =	vst v63  }
0x7d: {  	s21 =	sadd.s32 $0x6000, s21;
	s23 =	sadd.s32 $0x8, s15  }
0x7e: {  	[hbm4b:s23+s12] =	stream.strided.scatter [tilespmem:s21], [sflag:$0x2], $0x1000, s26, s12, $0x38;
	[tilespmem:$0xD000] =	vst v63  }
0x7f: {  	_ =	swait.ge [sflag:s1], $0x1000  }
0x80: {  	[sflag:s1] =	ssyncset.done $0x0  }
0x81: {  	[sflag:s1] =	ssyncadd.s32 $0xFFFFF000  }
.Ltmp1:
0x82: {  	s19 =	sshrl.u32 s19, $0x2;
	_ =	swait.ge [sflag:s1], $0x1000;
	(pc) =	sbr.rel @p0 .LBB2_4-.Ltmp1, $4  }
0x83: {  	s19 =	sand.u32 $0x6000, s19;
	[sflag:s1] =	ssyncset.done $0x0  }
0x84: {  	s21 =	sadd.s32 $0x5000, s19;
	s23 =	sadd.s32 $0xFFFFFFC0, s17;
	[sflag:s1] =	ssyncadd.s32 $0xFFFFF000  }
0x85: {  	[tilespmem:s21], [sflag:$0x1] =	stream.indirect.gather [hbm4b:s3+s12], $0x40, s23, s12, $0xb8;
	[tilespmem:$0xD000] =	vst v63  }
0x86: {  	s15 =	sadd.s32 $0x400, s15;
	s19 =	sadd.s32 $0x6000, s19;
	s17 =	sadd.s32 $0x80, s17  }
0x87: {  	[tilespmem:s19], [sflag:$0x1] =	stream.indirect.gather [hbm4b:s3+s12], $0x40, s2, s12, $0xb8;
	[tilespmem:$0xD000] =	vst v63  }
0x88: {  	_ =	swait.ge [sflag:s25], $0x1000  }
0x89: {  	[sflag:s25] =	ssyncset.done $0x0  }
0x8a: {  	[sflag:s25] =	ssyncadd.s32 $0xFFFFF000  }
0x8b: {  	_ =	swait.ge [sflag:s25], $0x1000  }
0x8c: {  	[sflag:s25] =	ssyncset.done $0x0  }
0x8d: {  	[sflag:s25] =	ssyncadd.s32 $0xFFFFF000  }
0x8e: {  	[hbm4b:s6+s12] =	stream.strided.scatter [tilespmem:s18], [sflag:$0x2], $0x1000, s26, s12, $0x38;
	[tilespmem:$0xD000] =	vst v63  }
0x8f: {  	s19 =	sadd.s32 $0x8, s6  }
0x90: {  	[hbm4b:s19+s12] =	stream.strided.scatter [tilespmem:s20], [sflag:$0x2], $0x1000, s26, s12, $0x38;
	[tilespmem:$0xD000] =	vst v63  }
0x91: {  	_ =	swait.ge [sflag:s1], $0x1000  }
0x92: {  	[sflag:s1] =	ssyncset.done $0x0  }
0x93: {  	[sflag:s1] =	ssyncadd.s32 $0xFFFFF000  }
0x94: {  	_ =	swait.ge [sflag:s1], $0x1000  }
0x95: {  	[sflag:s1] =	ssyncset.done $0x0  }
0x96: {  	[sflag:s1] =	ssyncadd.s32 $0xFFFFF000  }
0x97: {  	_ =	swait.ge [sflag:s25], $0x1000  }
0x98: {  	[sflag:s25] =	ssyncset.done $0x0  }
0x99: {  	[sflag:s25] =	ssyncadd.s32 $0xFFFFF000  }
0x9a: {  	_ =	swait.ge [sflag:s25], $0x1000  }
0x9b: {  	[sflag:s25] =	ssyncset.done $0x0  }
0x9c: {  	[sflag:s25] =	ssyncadd.s32 $0xFFFFF000  }
0x9d: {  	[hbm4b:s7+s12] =	stream.strided.scatter [tilespmem:s22], [sflag:$0x2], $0x1000, s26, s12, $0x38;
	[tilespmem:$0xD000] =	vst v63  }
0x9e: {  	s21 =	sadd.s32 $0x8, s7  }
0x9f: {  	[hbm4b:s21+s12] =	stream.strided.scatter [tilespmem:s24], [sflag:$0x2], $0x1000, s26, s12, $0x38;
	[tilespmem:$0xD000] =	vst v63  }
0xa0: {  	_ =	swait.ge [sflag:s1], $0x1000  }
0xa1: {  	[sflag:s1] =	ssyncset.done $0x0  }
0xa2: {  	[sflag:s1] =	ssyncadd.s32 $0xFFFFF000  }
0xa3: {  	_ =	swait.ge [sflag:s1], $0x1000  }
0xa4: {  	[sflag:s1] =	ssyncset.done $0x0  }
0xa5: {  	[sflag:s1] =	ssyncadd.s32 $0xFFFFF000  }
0xa6: {  	_ =	swait.ge [sflag:s25], $0x1000  }
0xa7: {  	[sflag:s25] =	ssyncset.done $0x0  }
0xa8: {  	[sflag:s25] =	ssyncadd.s32 $0xFFFFF000  }
0xa9: {  	_ =	swait.ge [sflag:s25], $0x1000  }
0xaa: {  	[sflag:s25] =	ssyncset.done $0x0  }
0xab: {  	[sflag:s25] =	ssyncadd.s32 $0xFFFFF000  }
0xac: {  	[hbm4b:s8+s12] =	stream.strided.scatter [tilespmem:s29], [sflag:$0x2], $0x1000, s26, s12, $0x38;
	[tilespmem:$0xD000] =	vst v63  }
0xad: {  	s23 =	sadd.s32 $0x8, s8  }
0xae: {  	[hbm4b:s23+s12] =	stream.strided.scatter [tilespmem:s31], [sflag:$0x2], $0x1000, s26, s12, $0x38;
	[tilespmem:$0xD000] =	vst v63  }
0xaf: {  	_ =	swait.ge [sflag:s1], $0x1000  }
0xb0: {  	[sflag:s1] =	ssyncset.done $0x0  }
0xb1: {  	[sflag:s1] =	ssyncadd.s32 $0xFFFFF000  }
0xb2: {  	_ =	swait.ge [sflag:s1], $0x1000  }
0xb3: {  	[sflag:s1] =	ssyncset.done $0x0  }
0xb4: {  	s0 =	sadd.s32 $0x1, s0;
	[sflag:s1] =	ssyncadd.s32 $0xFFFFF000  }
0xb5: {  	p0 =	sne.s32 s0, s9;
	_ =	swait.ge [sflag:s1], $0x1000  }
.Ltmp2:
0xb6: {  	[sflag:s1] =	ssyncset.done $0x0;
	(pc) =	sbr.rel @p0 .LBB2_1-.Ltmp2, $4  }
0xb7: {  	[sflag:s1] =	ssyncadd.s32 $0xFFFFF000  }
0xb8: {  	_ =	swait.ge [sflag:s1], $0x1000  }
0xb9: {  	[sflag:s1] =	ssyncset.done $0x0  }
0xba: {  	[sflag:s1] =	ssyncadd.s32 $0xFFFFF000  }
0xbb: {  	_ =	sfence.sel $0x180000  }
0xbc: {  	[bflag:$0x0] =	sbarrier.arrive $0xFFFF  }
0xbd: {  	_ =	strace $0x90000047  }
0xbe: {  	s0 =	stileid.u32;
	[bflag:$0x2] =	sbarrier.arrive $0xFFFF  }
0xbf: {  	p0 =	sne.s32 s0, $0x0;
	s0 =	rddreg [dreg:$0x2]  }
0xc0: {  	s0 =	sadd.s32 @!p0 $0x100000, s0  }
0xc1: {  	[sflag:s0] =	ssyncadd.tile.s32 @!p0 $0x1;
	_ =	shalt  }
.Lfunc_end2:
_tile_overlayer_lowered:
.L_overlay_start_2:
0xc2: {  	(tag) =	ssettag $0x2  }
0xc3: {  	s0 =	rddreg [dreg:$0x0];
	s2 =	stileid.u32  }
0xc4: {  	s1 =	rddreg [dreg:$0x1];
	p0 =	sne.s32 s2, $0x0  }
0xc5: {  	s3 =	rddreg [dreg:$0x2];
	[bflag:$0x3] =	sbarrier.arrive $0xFFFF;
	s2 =	simm.s32 @!p0 $0x1C03  }
0xc6: {  	[timem:s3], [sflag:s2] =	dma.local @!p0 [hbm:s0], s1  }
0xc7: {  	s0 =	simm.s32 @!p0 $0x3  }
0xc8: {  	_ =	swait.ge @!p0 [sflag:s0], s1  }
0xc9: {  	s1 =	ssub.s32 @!p0 $0x0, s1;
	[sflag:s0] =	ssyncset.done @!p0 $0x0  }
0xca: {  	[sflag:s0] =	ssyncadd.s32 @!p0 s1  }
0xcb: {  	[bflag:$0x3] =	sbarrier.arrive $0xFFFF  }
0xcc: {  	_ =	shalt  }

// kernel: sparse-core-data-format-call.cloned.1.call-start
scs
called_computation_lowered:
.L_overlay_start_0:
0x0: {  	s2 =	sld [smem:$0x3FD9]  }
0x1: {  	s3 =	sld [smem:$0x3FFE];
	_ =	sdelay $0x1  }
0x2: {  	s1 =	srdreg.scid  }
0x3: {  	s0 =	sand.u32 $0x1, s1  }
0x4: {  	s18 =	sshll.u32 s0, $0xA;
	s2 =	sadd.s32 s3, s2  }
0x5: {  	s2 =	sadd.s32 s2, s18  }
0x6: {  	[smem:$0x3FC6] =	sst s2  }
0x7: {  	_ = 	snop  }
0x8: {  	s2 =	sld [smem:$0x3FD0];
	(tm) =	ssettm $0x1  }
0x9: {  	s19 =	sld [smem:$0x3FFB];
	_ =	sdelay $0x3  }
0xa: {  	_ =	strace s19  }
0xb: {  	s3 =	sld [smem:$0x3FFC];
	_ =	sdelay $0x3  }
0xc: {  	_ =	strace s3  }
0xd: {  	s3 =	sld [smem:$0x3FFD];
	_ =	sdelay $0x3  }
0xe: {  	_ =	strace s3  }
0xf: {  	_ =	strace $0x8FFFFFFF  }
0x10: {  	s20 =	sld [smem:$0x3FDB];
	_ =	sdelay $0x1  }
0x11: {  	s4 =	simm.s32 $_scs_section_size  }
0x12: {  	s5 =	simm.s32 $_size__tile_overlayer_lowered;
	s6 =	simm.s32 $_tile_overlayer_lowered  }
0x13: {  	s23 =	simm.s32 $0x1BFF;
	s22 =	sshll.u32 s6, $0x1;
	s3 =	sadd.s32 s4, s20  }
0x14: {  	s7 =	simm.s32 $0x0;
	s21 =	sshll.u32 s5, $0x1;
	s5 =	sadd.s32 s22, s3  }
0x15: {  	[timem:s7], [sflag:s23] =	dma.local [hbm:s5], s21  }
0x16: {  	_ =	swait.ge [sflag:s23], s21  }
0x17: {  	s4 =	ssub.s32 $0x0, s21;
	[sflag:s23] =	ssyncset.done $0x0  }
0x18: {  	[sflag:s23] =	ssyncadd.s32 s4;
	_ =	sdelay $0x1  }
0x19: {  	s24 =	simm.s32 $0x1B8B  }
0x1a: {  	_ =	swait.ge [sflag:s24], $0x1  }
0x1b: {  	[sflag:s24] =	ssyncset.done $0x0  }
0x1c: {  	s26 =	simm.s32 $0x1B8E;
	s25 =	sld [smem:$0x3FFE];
	[sflag:s24] =	ssyncadd.s32 $0xFFFFFFFF  }
0x1d: {  	s27 =	simm.s32 $execute0_lowered;
	[smem:$0x3FD2] =	sst s26  }
0x1e: {  	s5 =	sshll.u32 s27, $0x1;
	_ =	strace $0x80000049;
	[dreg:$0x1] =	wrdreg $0xFFFFFFFF  }
0x1f: {  	s28 =	simm.s32 $_size_execute0_lowered;
	s3 =	sadd.s32 s3, s5;
	[dreg:$0x0] =	wrdreg $0x0  }
0x20: {  	s5 =	sshll.u32 s28, $0x1;
	[dreg:$0x2] =	wrdreg s3  }
0x21: {  	[dreg:$0x3] =	wrdreg s5  }
0x22: {  	[dreg:$0x4] =	wrdreg $0xC0  }
0x23: {  	_ =	task [dreg:s7], $0x5FFFF  }
0x24: {  	[dreg:$0x1] =	wrdreg $0xFFFFFFFF  }
0x25: {  	[dreg:$0x0] =	wrdreg $0x60  }
0x26: {  	[dreg:$0x2] =	wrdreg s25  }
0x27: {  	[dreg:$0x3] =	wrdreg s2  }
0x28: {  	[dreg:$0x4] =	wrdreg $0x9  }
0x29: {  	_ =	task.clear_ibuf [dreg:s7], $0x5FFFF;
	_ =	strace $0x90000049  }
0x2a: {  	s29 =	simm.s32 $0x9;
	_ =	strace $0x8000004B  }
0x2b: {  	_ =	swait.ge [sflag:s29], $0x1  }
0x2c: {  	[sflag:s29] =	ssyncadd.s32 $0xFFFFFFFF  }
0x2d: {  	_ =	strace $0x9000004B  }
0x2e: {  	_ =	sfence  }
0x2f: {  	s30 =	sld [smem:$0x0];
	_ =	sdelay $0x2  }
0x30: {  	s31 =	sshll.u32 s1, $0xD;
	s1 =	sshrl.u32 s1, $0x2  }
0x31: {  	s3 =	sand.u32 $0x4000, s31;
	s1 =	sadd.s32 s1, s30  }
0x32: {  	s0 =	sor.u32 s3, s0;
	s1 =	sshll.u32 s1, $0x11  }
0x33: {  	s0 =	sor.u32 s1, s0  }
0x34: {  	s0 =	sadd.s32 $0x8F2B, s0  }
0x35: {  	[sflag:s0] =	ssyncadd.remote.s32 $0x1  }
0x36: {  	_ =	sfence.sel $0xFFFF  }
0x37: {  	[dreg:$0x0] =	wrdreg $0xFFFFFFFF;
	(pc) =	sbr.abs _section_cstart, $3  }
0x38: {  	[dreg:$0x1] =	wrdreg $0xFFFFFFFF  }
0x39: {  	_ =	task.clear_ibuf [dreg:s7], $0x2FFFF;
	_ =	strace $0x9FFFFFFF  }
0x3a: {  	(tm) =	ssettm $0x7FFFFFFF  }
0x3b: {  	_ =	shalt  }
tec
execute0_lowered:
.L_overlay_start_1:
0x0: {  	(tag) =	ssettag $0x1  }
0x1: {  	s0 =	srdreg.scid  }
0x2: {  	s1 =	sshll.u32 s0, $0x4  }
0x3: {  	s0 =	stileid.u32;
	s1 =	sand.u32 $0x10, s1  }
0x4: {  	s1 =	sor.u32 s0, s1  }
0x5: {  	s6 =	rddreg [dreg:$0x0];
	s4 =	simm.s32 $0x1;
	s2 =	sshll.u32 s1, $0x7  }
0x6: {  	s7 =	simm.s32 $0x2;
	s12 =	simm.s32 $0x0;
	s1 =	ssub.s32 $0x4000, s2  }
0x7: {  	s8 =	simm.s32 $0x20000;
	s13 =	simm.s32 $0x0;
	s3 =	sand.u32 $0xF80, s1  }
0x8: {  	s9 =	simm.s32 $0x0;
	s5 =	sshrl.u32 s1, $0xC;
	p0 =	sne.s32 s3, $0x0  }
.Ltmp0:
0x9: {  	s1 =	rddreg [dreg:$0x2];
	s4 =	simm.s32 @!p0 $0x0;
	(pc) =	sbr.rel .LBB1_1-.Ltmp0, $4  }
0xa: {  	s11 =	simm.s32 $0x0;
	s3 =	rddreg [dreg:$0x1];
	s5 =	sadd.s32 s4, s5  }
0xb: {  	_ =	strace $0x8000004A;
	s4 =	simm.s32 $0x1;
	s5 =	smul.u32 $0x14, s5  }
0xc: {  	s6 =	sadd.s32 $0xA00, s6;
	s10 =	smov.u32 s2;
	[sflag:s4] =	ssyncpa.u1 $0x0  }
0xd: {  	p0 =	por $0x0, $0x0;
	[sflag:s7] =	ssyncpa.u1 $0x0;
	s7 =	sor.u32 $0x1, s5  }
.LBB1_4:
0xe: {  	s16 =	sshll.u32 s13, $0x3;
	s17 =	sand.u32 $0x78, s13  }
0xf: {  	s30 =	sand.u32 $0x1F800, s13;
	s12 =	sshll.u32 s12, $0x11;
	s16 =	sand.u32 $0x3C00, s16  }
0x10: {  	[tilespmem:s15+$0x810 ss:$0x81] =	vst.msk $0xffff, v2;
	s31 =	sand.u32 $0x7, s13;
	s16 =	sor.u32 s17, s16;
	s17 =	sadd.s32 s3, s30  }
0x11: {  	[tilespmem:s15+$0x1020 ss:$0x81] =	vst.msk $0xffff, v0;
	s13 =	sshll.u32 s31, $0x12;
	s12 =	sadd.s32 s12, s17;
	s16 =	sshrl.u32 s16, $0x3  }
0x12: {  	[tilespmem:s15+$0x0 ss:$0x81] =	vst.msk $0xffff, v1;
	s13 =	sor.u32 $0x400, s13;
	s12 =	sadd.s32 s16, s12  }
0x13: {  	[hbm4b:s12+s13] =	stream.strided.scatter [tilespmem:s14], [sflag:$0x2], $0x2000, s8, s13, $0x20;
	[tilespmem:$0x8080] =	vst v63  }
.LBB1_5:
0x14: {  	s14 =	sadd.s32 $0x1, s9  }
0x15: {  	s12 =	sadd.s32 $0x1000, s10;
	s16 =	smov.u32 s10;
	p2 =	sgt.s32 s14, $0x13  }
0x16: {  	s16 =	smov.u32 @p2 s12  }
0x17: {  	s14 =	simm.s32 @p2 $0x0;
	p2 =	sgt.s32 s16, $0x3FFF  }
0x18: {  	s16 =	smov.u32 @p2 s2;
	p2 =	sne.s32 s11, s7  }
.Ltmp1:
0x19: {  	p1 =	slt.u32 s11, $0x2;
	(pc) =	sbr.rel @!p2 .LBB1_6-.Ltmp1, $4  }
0x1a: {  	s15 =	simm.s32 @!p1 $0x2  }
0x1b: {  	s13 =	smov.u32 s10;
	p0 =	por !p0, !p0;
	_ =	swait.ge @!p1 [sflag:s15], $0x2000  }
0x1c: {  	s12 =	smov.u32 s9;
	[sflag:s15] =	ssyncset.done @!p1 $0x0;
	s9 =	smov.u32 s14  }
0x1d: {  	s11 =	sadd.s32 $0x1, s11;
	[sflag:s15] =	ssyncadd.s32 @!p1 $0xFFFFE000;
	s10 =	smov.u32 s16  }
.LBB1_1:
0x1e: {  	p1 =	sge.u32 s11, s5  }
0x1f: {  	s14 =	sand.u32 @!p1 $0x1FFFFFF, s9  }
0x20: {  	s15 =	smulhi.u32 @!p1 $0xAAAAAAB, s14;
	_ =	sdelay $0x1  }
0x21: {  	s15 =	smul.u32 @!p1 $0x18, s15  }
0x22: {  	s16 =	sxor.u32 @!p1 $0xFFFFFFFF, s11;
	s17 =	smul.u32 @!p1 $0x180, s10  }
0x23: {  	s31 =	sadd.s32 $0xFFFFFFFF, s11;
	s16 =	sshll.u32 @!p1 s16, $0xD;
	s14 =	ssub.s32 @!p1 s14, s15  }
0x24: {  	s15 =	sand.u32 @!p1 $0x2000, s16;
	s16 =	sadd.s32 @!p1 s6, s17;
	s14 =	sshll.u32 @!p1 s14, $0x4  }
0x25: {  	s17 =	simm.s32 @!p1 $0xC00;
	s14 =	sadd.s32 @!p1 s14, s16;
	s16 =	simm.s32 @!p1 $0x40  }
0x26: {  	[tilespmem:s15], [sflag:$0x1] =	stream.strided.gather @!p1 [hbm4b:s14+s16], $0x2000, s17, s16, $0x38;
	[tilespmem:$0x8080] =	vst v63  }
0x27: {  	p1 =	sge.u32 s31, s5  }
.Ltmp2:
0x28: {  	_ = 	snop;
	(pc) =	sbr.rel @p1 .LBB1_5-.Ltmp2, $1  }
0x29: {  	_ =	sdelay $0x3  }
0x2a: {  	s14 =	simm.s32 $0x1  }
0x2b: {  	_ =	swait.ge [sflag:s4], $0x2000;
	s14 =	simm.s32 @!p0 $0x0  }
0x2c: {  	[sflag:s4] =	ssyncset.done $0x0;
	s15 =	sshll.u32 s14, $0xD  }
0x2d: {  	[sflag:s4] =	ssyncadd.s32 $0xFFFFE000;
	s18 =	sor.u32 $0x20, s15  }
0x2e: {  	s14 =	smul.u32 $0x8100, s14;
	v3 =	vld [tilespmem:s18+$0x10]  }
0x2f: {  	s30 =	sand.u32 $0x1, s11;
	v2 =	vld [tilespmem:s18+$0xFFFFFFF0]  }
0x30: {  	s15 =	smul.u32 $0x8100, s30;
	s14 =	sshrl.u32 s14, $0x2;
	v0 =	vld [tilespmem:s18+$0x0]  }
0x31: {  	v1 =	vld [tilespmem:s18+$0xFFFFFFE0];
	s16 =	sor.u32 $0x4000, s14  }
0x32: {  	s31 =	sshrl.u32 s15, $0x2;
	s15 =	sadd.s32 $0x0, s16  }
0x33: {  	s17 =	simm.s32 $0x4;
	s18 =	sadd.s32 $0x40, s18;
	s14 =	sor.u32 $0x4000, s31;
	[tilespmem:s15+$0x1830 ss:$0x81] =	vst.msk $0xffff, v3  }
.LBB1_3:
0x34: {  	v3 =	vld [tilespmem:s18+$0x10];
	p1 =	sne.s32 s17, $0x1FC;
	[tilespmem:s15+$0x810 ss:$0x81] =	vst.msk $0xffff, v2;
	s19 =	smov.u32 s17;
	s17 =	sadd.s32 $0x4, s17  }
.Ltmp3:
0x35: {  	v2 =	vld [tilespmem:s18+$0xFFFFFFF0];
	[tilespmem:s15+$0x1020 ss:$0x81] =	vst.msk $0xffff, v0;
	(pc) =	sbr.rel @p1 .LBB1_3-.Ltmp3, $4  }
0x36: {  	v0 =	vld [tilespmem:s18+$0x0];
	[tilespmem:s15+$0x0 ss:$0x81] =	vst.msk $0xffff, v1  }
0x37: {  	s15 =	sshra.s32 s19, $0x2;
	v1 =	vld [tilespmem:s18+$0xFFFFFFE0]  }
0x38: {  	s15 =	sadd.s32 s15, s16  }
0x39: {  	s18 =	sadd.s32 $0x40, s18;
	[tilespmem:s15+$0x1830 ss:$0x81] =	vst.msk $0xffff, v3  }
.Ltmp4:
0x3a: {  	_ = 	snop;
	(pc) =	sbr.rel .LBB1_4-.Ltmp4, $1  }
0x3b: {  	_ =	sdelay $0x3  }
.LBB1_6:
0x3c: {  	_ =	sfence.sel $0x180000  }
0x3d: {  	s2 =	simm.s32 $0x1;
	[bflag:$0x0] =	sbarrier.arrive $0xFFFF  }
0x3e: {  	s31 =	simm.s32 $0x2;
	[sflag:s2] =	ssyncpa.u1 $0x1  }
0x3f: {  	[sflag:s31] =	ssyncpa.u1 $0x1  }
0x40: {  	p0 =	sne.s32 s0, $0x0;
	_ =	strace $0x9000004A  }
0x41: {  	s0 =	sadd.s32 @!p0 $0x100000, s1;
	[bflag:$0x2] =	sbarrier.arrive $0xFFFF  }
0x42: {  	[sflag:s0] =	ssyncadd.tile.s32 @!p0 $0x1;
	_ =	shalt  }
.Lfunc_end1:
_tile_overlayer_lowered:
.L_overlay_start_2:
0x43: {  	(tag) =	ssettag $0x2  }
0x44: {  	s0 =	rddreg [dreg:$0x0];
	s2 =	stileid.u32  }
0x45: {  	s1 =	rddreg [dreg:$0x1];
	p0 =	sne.s32 s2, $0x0  }
0x46: {  	s3 =	rddreg [dreg:$0x2];
	[bflag:$0x3] =	sbarrier.arrive $0xFFFF;
	s2 =	simm.s32 @!p0 $0x1C01  }
0x47: {  	[timem:s3], [sflag:s2] =	dma.local @!p0 [hbm:s0], s1  }
0x48: {  	s0 =	simm.s32 @!p0 $0x1  }
0x49: {  	_ =	swait.ge @!p0 [sflag:s0], s1  }
0x4a: {  	s1 =	ssub.s32 @!p0 $0x0, s1;
	[sflag:s0] =	ssyncset.done @!p0 $0x0  }
0x4b: {  	[sflag:s0] =	ssyncadd.s32 @!p0 s1  }
0x4c: {  	[bflag:$0x3] =	sbarrier.arrive $0xFFFF  }
0x4d: {  	_ =	shalt  }

</sc_bundles>
